<compile_context>
chip_gen: v7x
topology: tpu7x:2x2x1
jax: 0.10.2.dev20260603
libtpu: 0.0.44.dev20260713+nightly
codegen_flags: <defaults>
</compile_context>

<pallas_src>
import functools

import jax
import jax.numpy as jnp
from jax import lax
from jax.experimental import pallas as pl
from jax.experimental.pallas import tpu as pltpu
from jax.experimental.pallas import tpu_sc as plsc

_CH = 128
_NT = 16
_RB1 = 1000
_RB3 = 1024


def _scale_body(f_ref, s_ref, o_ref):
    o_ref[0, :, :] = f_ref[...] * s_ref[...]


def _make_scale(N):
    return pl.pallas_call(
        _scale_body,
        grid=(N // _RB1, 2),
        in_specs=[
            pl.BlockSpec((_RB1, 128), lambda i, j: (i, j)),
            pl.BlockSpec((_RB1, 1), lambda i, j: (i, 0)),
        ],
        out_specs=pl.BlockSpec((1, _RB1, 128), lambda i, j: (j, i, 0)),
        out_shape=jax.ShapeDtypeStruct((2, N, 128), jnp.float32),
    )


def _make_agg(N, N_pad, H_rows, G):
    s_stripe = N_pad // _NT
    o_stripe = (N // (8 * _NT)) * 8
    o_tail = N - _NT * o_stripe
    mesh = plsc.VectorSubcoreMesh(core_axis_name="c", subcore_axis_name="s")

    @functools.partial(
        pl.kernel,
        out_type=(
            jax.ShapeDtypeStruct((N, 128), jnp.float32),
            jax.ShapeDtypeStruct((N, 128), jnp.float32),
            jax.ShapeDtypeStruct((2 * _NT * H_rows * 128,), jnp.float32),
        ),
        mesh=mesh,
        compiler_params=pltpu.CompilerParams(needs_layout_passes=False),
        scratch_types=[
            pltpu.VMEM_SHARED((N_pad, 128), jnp.float32),
            pltpu.VMEM((_CH, 128), jnp.float32),
            pltpu.VMEM((_CH, 128), jnp.float32),
            pltpu.VMEM((_CH,), jnp.int32),
            pltpu.VMEM((_CH,), jnp.int32),
            pltpu.VMEM((_CH,), jnp.int32),
            pltpu.VMEM((_CH,), jnp.int32),
            pltpu.VMEM((H_rows * 128,), jnp.float32),
            pltpu.SemaphoreType.DMA,
            pltpu.SemaphoreType.DMA,
            pltpu.SemaphoreType.DMA,
            pltpu.SemaphoreType.DMA,
            pltpu.SemaphoreType.DMA,
            pltpu.SemaphoreType.DMA,
        ],
    )
    def k(hs, src2, dst, z128, zh, ms0, ms1, hout, acc, rows0, rows1,
          sidx0, sidx1, didx0, didx1, hist,
          ss0, ss1, ds0, ds1, gs0, gs1):
        c = lax.axis_index("c")
        s = lax.axis_index("s")
        ones16 = jnp.full((16,), 1.0, jnp.float32)
        rowss = (rows0, rows1)
        sidxs = (sidx0, sidx1)
        didxs = (didx0, didx1)
        ssems = (ss0, ss1)
        dsems = (ds0, ds1)
        gsems = (gs0, gs1)

        ebase = s * (G * _CH)
        cbase = c * (G * _CH * _NT)

        def start_idx(g, b):
            off = pl.multiple_of(ebase + g * _CH, _CH)
            soff = pl.multiple_of(cbase + off, _CH)
            pltpu.async_copy(src2.at[pl.ds(soff, _CH)], sidxs[b], ssems[b])
            pltpu.async_copy(dst.at[pl.ds(off, _CH)], didxs[b], dsems[b])

        def wait_sidx(b):
            pltpu.make_async_copy(src2.at[pl.ds(0, _CH)], sidxs[b],
                                  ssems[b]).wait()

        def wait_didx(b):
            pltpu.make_async_copy(dst.at[pl.ds(0, _CH)], didxs[b],
                                  dsems[b]).wait()

        def start_gather(b):
            pltpu.async_copy(hs.at[sidxs[b]], rowss[b], gsems[b])

        def wait_gather(b):
            pltpu.make_async_copy(hs.at[sidxs[b]], rowss[b], gsems[b]).wait()

        def hist_update(b):
            @pl.when(c == b)
            def _():
                dvs = [didxs[b][pl.ds(kk * 16, 16)]
                       for kk in range(_CH // 16)]
                for dv in dvs:
                    plsc.addupdate_scatter(hist, [dv], ones16)

        T = G // 2
        start_idx(0, 0)
        start_idx(1, 1)
        pltpu.sync_copy(z128, rows0)
        zbase = s * s_stripe
        for done in range(0, s_stripe, _CH):
            piece = min(_CH, s_stripe - done)
            pltpu.sync_copy(rows0.at[pl.ds(0, piece)],
                            acc.at[pl.ds(zbase + done, piece)])
        wait_sidx(0)
        start_gather(0)
        wait_sidx(1)
        start_gather(1)
        pltpu.sync_copy(zh, hist)
        plsc.subcore_barrier()

        def body(t, carry):
            g0 = t * 2
            wait_gather(0)
            wait_didx(0)
            hist_update(0)
            pltpu.sync_copy(rowss[0], acc.at[didxs[0]], add=True)

            @pl.when(t < T - 1)
            def _():
                start_idx(g0 + 2, 0)
                wait_sidx(0)
                start_gather(0)

            wait_gather(1)
            wait_didx(1)
            hist_update(1)
            pltpu.sync_copy(rowss[1], acc.at[didxs[1]], add=True)

            @pl.when(t < T - 1)
            def _():
                start_idx(g0 + 3, 1)
                wait_sidx(1)
                start_gather(1)

            return carry

        lax.fori_loop(0, T, body, 0)
        plsc.subcore_barrier()

        def emit_rows(ref, lo, n):
            nb = 0
            for done in range(0, n, _CH):
                piece = min(_CH, n - done)
                b = nb % 2
                if nb >= 2:
                    pltpu.make_async_copy(
                        rowss[b].at[pl.ds(0, _CH)],
                        ref.at[pl.ds(lo + done - 2 * _CH, _CH)],
                        gsems[b]).wait()
                pltpu.sync_copy(acc.at[pl.ds(lo + done, piece)],
                                rowss[b].at[pl.ds(0, piece)])
                pltpu.async_copy(rowss[b].at[pl.ds(0, piece)],
                                 ref.at[pl.ds(lo + done, piece)], gsems[b])
                nb += 1
            for j in range(min(2, nb)):
                b = (nb - 1 - j) % 2
                done = (nb - 1 - j) * _CH
                piece = min(_CH, n - done)
                pltpu.make_async_copy(rowss[b].at[pl.ds(0, piece)],
                                      ref.at[pl.ds(lo + done, piece)],
                                      gsems[b]).wait()

        pltpu.sync_copy(hist, hout.at[pl.ds((c * _NT + s) * H_rows * 128,
                                            H_rows * 128)])

        @pl.when(c == 0)
        def _():
            emit_rows(ms0, s * o_stripe, o_stripe)
            if o_tail:
                @pl.when(s == _NT - 1)
                def _():
                    emit_rows(ms0, _NT * o_stripe, o_tail)

        @pl.when(c == 1)
        def _():
            emit_rows(ms1, s * o_stripe, o_stripe)
            if o_tail:
                @pl.when(s == _NT - 1)
                def _():
                    emit_rows(ms1, _NT * o_stripe, o_tail)

    return k


def _post_body(ms0, ms1, ch_ref, f_ref, s_ref, w_ref, b_ref, be_ref, o_ref):
    cnt = lax.dot_general(ch_ref[...], jnp.ones((32, 1), jnp.float32),
                          (((0,), (0,)), ((), ())),
                          preferred_element_type=jnp.float32)
    snorm = s_ref[...]
    h = f_ref[...] * snorm
    ms = jnp.concatenate([ms0[...], ms1[...]], axis=1)
    agg = jnp.where(cnt > 0.0, ms / jnp.maximum(cnt, 1.0), h)
    h2 = lax.dot_general(agg, w_ref[...], (((1,), (0,)), ((), ())),
                         preferred_element_type=jnp.float32)
    h2 = (h2 + b_ref[...]) * snorm + be_ref[...]
    h2 = jnp.maximum(h2, 0.0)
    o_ref[...] = f_ref[...] + h2


def _make_post(N):
    nb = -(-N // _RB3)
    return pl.pallas_call(
        _post_body,
        grid=(nb,),
        in_specs=[
            pl.BlockSpec((_RB3, 128), lambda i: (i, 0)),
            pl.BlockSpec((_RB3, 128), lambda i: (i, 0)),
            pl.BlockSpec((32, _RB3), lambda i: (0, i)),
            pl.BlockSpec((_RB3, 256), lambda i: (i, 0)),
            pl.BlockSpec((_RB3, 1), lambda i: (i, 0)),
            pl.BlockSpec((256, 256), lambda i: (0, 0)),
            pl.BlockSpec((1, 256), lambda i: (0, 0)),
            pl.BlockSpec((1, 256), lambda i: (0, 0)),
        ],
        out_specs=pl.BlockSpec((_RB3, 256), lambda i: (i, 0)),
        out_shape=jax.ShapeDtypeStruct((N, 256), jnp.float32),
    )


@jax.jit
def kernel(feature, edge_index, snorm_n, W, b, gamma, beta):
    N, D = feature.shape
    E = edge_index.shape[1]
    G = 2 * (-(-E // (_NT * _CH * 2)))
    E_pad = _NT * G * _CH
    N_pad = ((N + 1 + _NT - 1) // _NT + 7) // 8 * 8 * _NT
    nb3 = -(-N // _RB3)
    H_rows = -(-max(nb3 * _RB3, N + 1) // 128)
    H_bins = H_rows * 128

    src = edge_index[0].astype(jnp.int32)
    dst = edge_index[1].astype(jnp.int32)
    src_p = jnp.concatenate([src, jnp.zeros((E_pad - E,), jnp.int32)])
    dst_p = jnp.concatenate([dst, jnp.full((E_pad - E,), N, jnp.int32)])
    src2 = jnp.concatenate([src_p, src_p + N])

    hs = _make_scale(N)(feature, snorm_n).reshape(2 * N, 128)

    z128 = jnp.zeros((_CH, 128), jnp.float32)
    zh = jnp.zeros((H_bins,), jnp.float32)
    ms0, ms1, hout = _make_agg(N, N_pad, H_rows, G)(hs, src2, dst_p, z128, zh)
    cnth = hout.reshape(2 * _NT, H_bins)

    gscale = gamma * (1.0 / jnp.sqrt(jnp.float32(1.0 + 1e-5)))
    Wt = (W * gscale[:, None]).T
    bp = b * gscale
    return _make_post(N)(ms0, ms1, cnth, feature, snorm_n, Wt,
                         bp.reshape(1, D), beta.reshape(1, D))

# --- scband reference (transcript-rebuilt; emitter-appended) ---
"""Pipeline reference for scband-gcnlayer-23785528885747 (READ-ONLY COPY).

The authoritative reference and input builder live on the scoring server;
editing this copy changes nothing except your own understanding.
"""

import jax, jax.numpy as jnp
import numpy as np

N = 10000
E = 160000
D = 256

def setup_inputs(seed: int = 0) -> dict:
    key = jax.random.key(seed)
    k1, k2, k3, k4, k5, k6, k7 = jax.random.split(key, 7)
    feature = jax.random.normal(k1, (N, D), dtype=jnp.float32)
    edge_index = jax.random.randint(k2, (2, E), 0, N, dtype=jnp.int64)
    snorm_n = jax.random.uniform(k3, (N, 1), dtype=jnp.float32)
    # learned params of NodeApplyModule.linear (in_dim=256 -> out_dim=256)
    W = jax.random.normal(k4, (D, D), dtype=jnp.float32) * (1.0 / np.sqrt(D))
    b = jax.random.normal(k5, (D,), dtype=jnp.float32) * 0.01
    # BatchNorm1d affine params (freshly initialized)
    gamma = jnp.ones((D,), dtype=jnp.float32)
    beta = jnp.zeros((D,), dtype=jnp.float32)
    return {"feature": feature, "edge_index": edge_index, "snorm_n": snorm_n,
            "W": W, "b": b, "gamma": gamma, "beta": beta}

def reference(feature, edge_index, snorm_n, W, b, gamma, beta):
    # GCNLayer.forward (dgl_builtin=False, reducer='mean', graph_norm=True,
    # batch_norm=True (eval mode, running_mean=0, running_var=1), activation=relu,
    # residual=True, dropout=0.0)
    src = edge_index[0]
    dst = edge_index[1]
    h_in = feature
    # graph norm on input
    h = feature * snorm_n
    # message passing: copy_src + mean reduce over incoming edges
    msgs = jnp.take(h, src, axis=0)                       # [E, D]
    msg_sum = jax.ops.segment_sum(msgs, dst, num_segments=N)   # [N, D]
    cnt = jax.ops.segment_sum(jnp.ones((E,), dtype=h.dtype), dst, num_segments=N)  # [N]
    # DGL: nodes with zero in-degree keep their current h (set to normed feature)
    agg = jnp.where(cnt[:, None] > 0, msg_sum / jnp.maximum(cnt[:, None], 1.0), h)
    # NodeApplyModule: linear
    h2 = agg @ W.T + b
    # graph norm on output
    h2 = h2 * snorm_n
    # BatchNorm1d in eval mode with default running stats (mean=0, var=1)
    eps = 1e-5
    h2 = (h2 - 0.0) / jnp.sqrt(1.0 + eps)
    h2 = h2 * gamma + beta
    # activation
    h2 = jax.nn.relu(h2)
    # residual (in_dim == out_dim)
    h2 = h_in + h2
    # dropout p=0.0 -> identity
    return h2

if __name__ == "__main__":
    import jax
    _d = setup_inputs()
    print(jax.jit(kernel)(*tuple(_d.values())))

</pallas_src>

<mosaic_0001>
#map = affine_map<(d0, d1) -> (0, 0)>
#map1 = affine_map<(d0, d1) -> (0)>
module attributes {stable_mosaic.version = 14 : i64} {
  func.func @k(%arg0: i32, %arg1: i32, %arg2: memref<20000x128xf32, #tpu.memory_space<hbm>>, %arg3: memref<327680xi32, #tpu.memory_space<hbm>>, %arg4: memref<163840xi32, #tpu.memory_space<hbm>>, %arg5: memref<128x128xf32, #tpu.memory_space<hbm>>, %arg6: memref<10240xf32, #tpu.memory_space<hbm>>, %arg7: memref<10000x128xf32, #tpu.memory_space<hbm>>, %arg8: memref<10000x128xf32, #tpu.memory_space<hbm>>, %arg9: memref<327680xf32, #tpu.memory_space<hbm>>, %arg10: memref<10112x128xf32, #tpu.memory_space<vmem_shared>>, %arg11: memref<128x128xf32, #tpu.memory_space<vmem>>, %arg12: memref<128x128xf32, #tpu.memory_space<vmem>>, %arg13: memref<128xi32, #tpu.memory_space<vmem>>, %arg14: memref<128xi32, #tpu.memory_space<vmem>>, %arg15: memref<128xi32, #tpu.memory_space<vmem>>, %arg16: memref<128xi32, #tpu.memory_space<vmem>>, %arg17: memref<10240xf32, #tpu.memory_space<vmem>>, %arg18: memref<!tpu.dma_semaphore, #tpu.memory_space<semaphore_mem>>, %arg19: memref<!tpu.dma_semaphore, #tpu.memory_space<semaphore_mem>>, %arg20: memref<!tpu.dma_semaphore, #tpu.memory_space<semaphore_mem>>, %arg21: memref<!tpu.dma_semaphore, #tpu.memory_space<semaphore_mem>>, %arg22: memref<!tpu.dma_semaphore, #tpu.memory_space<semaphore_mem>>, %arg23: memref<!tpu.dma_semaphore, #tpu.memory_space<semaphore_mem>>) attributes {dimension_semantics = [#tpu.dimension_semantics<core_parallel>, #tpu.dimension_semantics<subcore_parallel>], iteration_bounds = array<i64: 2, 16>, scalar_prefetch = 0 : i64, scratch_operands = 14 : i64, tpu.core_type = #tpu.core_type<sc_vector_subcore>, window_params = [{transform_indices = #map}, {transform_indices = #map1}, {transform_indices = #map1}, {transform_indices = #map}, {transform_indices = #map1}, {transform_indices = #map}, {transform_indices = #map}, {transform_indices = #map1}]} {
    %broadcast_in_dim3A = arith.constant 1.000000e+00 : f32
    %broadcast_in_dim3A_0 = vector.broadcast %broadcast_in_dim3A : f32 to vector<16xf32>
    %mul3A = arith.constant 10240 : i32
    %mul3A_1 = arith.muli %arg1, %mul3A : i32
    %mul3A_2 = arith.constant 163840 : i32
    %mul3A_3 = arith.muli %arg0, %mul3A_2 : i32
    %add3A = arith.constant 0 : i32
    %add3A_4 = arith.addi %mul3A_1, %add3A : i32
    %multiple_of3A = tpu.assume_multiple %add3A_4, 128 : i32
    %add3A_5 = arith.addi %mul3A_3, %multiple_of3A : i32
    %multiple_of3A_6 = tpu.assume_multiple %add3A_5, 128 : i32
    %dma_start3A = tpu.memref_slice %arg3[%multiple_of3A_6] : memref<327680xi32, #tpu.memory_space<hbm>> -> memref<128xi32, #tpu.memory_space<hbm>>
    %dma_start3A_7 = tpu.memref_slice %arg3[%multiple_of3A_6] : memref<327680xi32, #tpu.memory_space<hbm>> -> memref<128xi32, #tpu.memory_space<hbm>>
    tpu.enqueue_dma source(%dma_start3A_7 : memref<128xi32, #tpu.memory_space<hbm>>) target(%arg13 : memref<128xi32, #tpu.memory_space<vmem>>) target_semaphore(%arg18 : memref<!tpu.dma_semaphore, #tpu.memory_space<semaphore_mem>>)
    %dma_start3A_8 = tpu.memref_slice %arg4[%multiple_of3A] : memref<163840xi32, #tpu.memory_space<hbm>> -> memref<128xi32, #tpu.memory_space<hbm>>
    %dma_start3A_9 = tpu.memref_slice %arg4[%multiple_of3A] : memref<163840xi32, #tpu.memory_space<hbm>> -> memref<128xi32, #tpu.memory_space<hbm>>
    tpu.enqueue_dma source(%dma_start3A_9 : memref<128xi32, #tpu.memory_space<hbm>>) target(%arg15 : memref<128xi32, #tpu.memory_space<vmem>>) target_semaphore(%arg20 : memref<!tpu.dma_semaphore, #tpu.memory_space<semaphore_mem>>)
    %add3A_10 = arith.constant 128 : i32
    %add3A_11 = arith.addi %mul3A_1, %add3A_10 : i32
    %multiple_of3A_12 = tpu.assume_multiple %add3A_11, 128 : i32
    %add3A_13 = arith.addi %mul3A_3, %multiple_of3A_12 : i32
    %multiple_of3A_14 = tpu.assume_multiple %add3A_13, 128 : i32
    %dma_start3A_15 = tpu.memref_slice %arg3[%multiple_of3A_14] : memref<327680xi32, #tpu.memory_space<hbm>> -> memref<128xi32, #tpu.memory_space<hbm>>
    %dma_start3A_16 = tpu.memref_slice %arg3[%multiple_of3A_14] : memref<327680xi32, #tpu.memory_space<hbm>> -> memref<128xi32, #tpu.memory_space<hbm>>
    tpu.enqueue_dma source(%dma_start3A_16 : memref<128xi32, #tpu.memory_space<hbm>>) target(%arg14 : memref<128xi32, #tpu.memory_space<vmem>>) target_semaphore(%arg19 : memref<!tpu.dma_semaphore, #tpu.memory_space<semaphore_mem>>)
    %dma_start3A_17 = tpu.memref_slice %arg4[%multiple_of3A_12] : memref<163840xi32, #tpu.memory_space<hbm>> -> memref<128xi32, #tpu.memory_space<hbm>>
    %dma_start3A_18 = tpu.memref_slice %arg4[%multiple_of3A_12] : memref<163840xi32, #tpu.memory_space<hbm>> -> memref<128xi32, #tpu.memory_space<hbm>>
    tpu.enqueue_dma source(%dma_start3A_18 : memref<128xi32, #tpu.memory_space<hbm>>) target(%arg16 : memref<128xi32, #tpu.memory_space<vmem>>) target_semaphore(%arg21 : memref<!tpu.dma_semaphore, #tpu.memory_space<semaphore_mem>>)
    "tpu.region"() ({
      %run_scoped3A = tpu.sem_alloc : memref<!tpu.dma_semaphore, #tpu.memory_space<semaphore_mem>>
      tpu.enqueue_dma source(%arg5 : memref<128x128xf32, #tpu.memory_space<hbm>>) target(%arg11 : memref<128x128xf32, #tpu.memory_space<vmem>>) target_semaphore(%run_scoped3A : memref<!tpu.dma_semaphore, #tpu.memory_space<semaphore_mem>>)
      tpu.wait_dma2 semaphore(%run_scoped3A : memref<!tpu.dma_semaphore, #tpu.memory_space<semaphore_mem>>) src(%arg5 : memref<128x128xf32, #tpu.memory_space<hbm>>) dst(%arg11 : memref<128x128xf32, #tpu.memory_space<vmem>>)
      tpu.yield
    }) : () -> ()
    %mul3A_19 = arith.constant 632 : i32
    %mul3A_20 = arith.muli %arg1, %mul3A_19 : i32
    %add3A_21 = arith.constant 0 : i32
    %add3A_22 = arith.addi %mul3A_20, %add3A_21 : i32
    "tpu.region"() ({
      %run_scoped3A = tpu.sem_alloc : memref<!tpu.dma_semaphore, #tpu.memory_space<semaphore_mem>>
      %dma_start3A_64 = arith.constant 0 : i32
      %dma_start3A_65 = arith.constant 0 : i32
      %dma_start3A_66 = tpu.memref_slice %arg11[%dma_start3A_64, %dma_start3A_65] : memref<128x128xf32, #tpu.memory_space<vmem>> -> memref<128x128xf32, #tpu.memory_space<vmem>>
      %dma_start3A_67 = arith.constant 0 : i32
      %dma_start3A_68 = tpu.memref_slice %arg10[%add3A_22, %dma_start3A_67] : memref<10112x128xf32, #tpu.memory_space<vmem_shared>> -> memref<128x128xf32, #tpu.memory_space<vmem_shared>>
      %dma_start3A_69 = arith.constant 0 : i32
      %dma_start3A_70 = tpu.memref_slice %arg10[%add3A_22, %dma_start3A_69] : memref<10112x128xf32, #tpu.memory_space<vmem_shared>> -> memref<128x128xf32, #tpu.memory_space<vmem_shared>>
      %dma_start3A_71 = arith.constant 0 : i32
      %dma_start3A_72 = arith.constant 0 : i32
      %dma_start3A_73 = tpu.memref_slice %arg11[%dma_start3A_71, %dma_start3A_72] : memref<128x128xf32, #tpu.memory_space<vmem>> -> memref<128x128xf32, #tpu.memory_space<vmem>>
      tpu.enqueue_dma source(%dma_start3A_73 : memref<128x128xf32, #tpu.memory_space<vmem>>) target(%dma_start3A_70 : memref<128x128xf32, #tpu.memory_space<vmem_shared>>) target_semaphore(%run_scoped3A : memref<!tpu.dma_semaphore, #tpu.memory_space<semaphore_mem>>)
      %dma_wait3A_74 = arith.constant 0 : i32
      %dma_wait3A_75 = arith.constant 0 : i32
      %dma_wait3A_76 = tpu.memref_slice %arg11[%dma_wait3A_74, %dma_wait3A_75] : memref<128x128xf32, #tpu.memory_space<vmem>> -> memref<128x128xf32, #tpu.memory_space<vmem>>
      %dma_wait3A_77 = arith.constant 0 : i32
      %dma_wait3A_78 = tpu.memref_slice %arg10[%add3A_22, %dma_wait3A_77] : memref<10112x128xf32, #tpu.memory_space<vmem_shared>> -> memref<128x128xf32, #tpu.memory_space<vmem_shared>>
      %dma_wait3A_79 = arith.constant 0 : i32
      %dma_wait3A_80 = tpu.memref_slice %arg10[%add3A_22, %dma_wait3A_79] : memref<10112x128xf32, #tpu.memory_space<vmem_shared>> -> memref<128x128xf32, #tpu.memory_space<vmem_shared>>
      %dma_wait3A_81 = arith.constant 0 : i32
      %dma_wait3A_82 = arith.constant 0 : i32
      %dma_wait3A_83 = tpu.memref_slice %arg11[%dma_wait3A_81, %dma_wait3A_82] : memref<128x128xf32, #tpu.memory_space<vmem>> -> memref<128x128xf32, #tpu.memory_space<vmem>>
      tpu.wait_dma2 semaphore(%run_scoped3A : memref<!tpu.dma_semaphore, #tpu.memory_space<semaphore_mem>>) src(%dma_wait3A_83 : memref<128x128xf32, #tpu.memory_space<vmem>>) dst(%dma_wait3A_80 : memref<128x128xf32, #tpu.memory_space<vmem_shared>>)
      tpu.yield
    }) : () -> ()
    %add3A_23 = arith.constant 128 : i32
    %add3A_24 = arith.addi %mul3A_20, %add3A_23 : i32
    "tpu.region"() ({
      %run_scoped3A = tpu.sem_alloc : memref<!tpu.dma_semaphore, #tpu.memory_space<semaphore_mem>>
      %dma_start3A_64 = arith.constant 0 : i32
      %dma_start3A_65 = arith.constant 0 : i32
      %dma_start3A_66 = tpu.memref_slice %arg11[%dma_start3A_64, %dma_start3A_65] : memref<128x128xf32, #tpu.memory_space<vmem>> -> memref<128x128xf32, #tpu.memory_space<vmem>>
      %dma_start3A_67 = arith.constant 0 : i32
      %dma_start3A_68 = tpu.memref_slice %arg10[%add3A_24, %dma_start3A_67] : memref<10112x128xf32, #tpu.memory_space<vmem_shared>> -> memref<128x128xf32, #tpu.memory_space<vmem_shared>>
      %dma_start3A_69 = arith.constant 0 : i32
      %dma_start3A_70 = tpu.memref_slice %arg10[%add3A_24, %dma_start3A_69] : memref<10112x128xf32, #tpu.memory_space<vmem_shared>> -> memref<128x128xf32, #tpu.memory_space<vmem_shared>>
      %dma_start3A_71 = arith.constant 0 : i32
      %dma_start3A_72 = arith.constant 0 : i32
      %dma_start3A_73 = tpu.memref_slice %arg11[%dma_start3A_71, %dma_start3A_72] : memref<128x128xf32, #tpu.memory_space<vmem>> -> memref<128x128xf32, #tpu.memory_space<vmem>>
      tpu.enqueue_dma source(%dma_start3A_73 : memref<128x128xf32, #tpu.memory_space<vmem>>) target(%dma_start3A_70 : memref<128x128xf32, #tpu.memory_space<vmem_shared>>) target_semaphore(%run_scoped3A : memref<!tpu.dma_semaphore, #tpu.memory_space<semaphore_mem>>)
      %dma_wait3A_74 = arith.constant 0 : i32
      %dma_wait3A_75 = arith.constant 0 : i32
      %dma_wait3A_76 = tpu.memref_slice %arg11[%dma_wait3A_74, %dma_wait3A_75] : memref<128x128xf32, #tpu.memory_space<vmem>> -> memref<128x128xf32, #tpu.memory_space<vmem>>
      %dma_wait3A_77 = arith.constant 0 : i32
      %dma_wait3A_78 = tpu.memref_slice %arg10[%add3A_24, %dma_wait3A_77] : memref<10112x128xf32, #tpu.memory_space<vmem_shared>> -> memref<128x128xf32, #tpu.memory_space<vmem_shared>>
      %dma_wait3A_79 = arith.constant 0 : i32
      %dma_wait3A_80 = tpu.memref_slice %arg10[%add3A_24, %dma_wait3A_79] : memref<10112x128xf32, #tpu.memory_space<vmem_shared>> -> memref<128x128xf32, #tpu.memory_space<vmem_shared>>
      %dma_wait3A_81 = arith.constant 0 : i32
      %dma_wait3A_82 = arith.constant 0 : i32
      %dma_wait3A_83 = tpu.memref_slice %arg11[%dma_wait3A_81, %dma_wait3A_82] : memref<128x128xf32, #tpu.memory_space<vmem>> -> memref<128x128xf32, #tpu.memory_space<vmem>>
      tpu.wait_dma2 semaphore(%run_scoped3A : memref<!tpu.dma_semaphore, #tpu.memory_space<semaphore_mem>>) src(%dma_wait3A_83 : memref<128x128xf32, #tpu.memory_space<vmem>>) dst(%dma_wait3A_80 : memref<128x128xf32, #tpu.memory_space<vmem_shared>>)
      tpu.yield
    }) : () -> ()
    %add3A_25 = arith.constant 256 : i32
    %add3A_26 = arith.addi %mul3A_20, %add3A_25 : i32
    "tpu.region"() ({
      %run_scoped3A = tpu.sem_alloc : memref<!tpu.dma_semaphore, #tpu.memory_space<semaphore_mem>>
      %dma_start3A_64 = arith.constant 0 : i32
      %dma_start3A_65 = arith.constant 0 : i32
      %dma_start3A_66 = tpu.memref_slice %arg11[%dma_start3A_64, %dma_start3A_65] : memref<128x128xf32, #tpu.memory_space<vmem>> -> memref<128x128xf32, #tpu.memory_space<vmem>>
      %dma_start3A_67 = arith.constant 0 : i32
      %dma_start3A_68 = tpu.memref_slice %arg10[%add3A_26, %dma_start3A_67] : memref<10112x128xf32, #tpu.memory_space<vmem_shared>> -> memref<128x128xf32, #tpu.memory_space<vmem_shared>>
      %dma_start3A_69 = arith.constant 0 : i32
      %dma_start3A_70 = tpu.memref_slice %arg10[%add3A_26, %dma_start3A_69] : memref<10112x128xf32, #tpu.memory_space<vmem_shared>> -> memref<128x128xf32, #tpu.memory_space<vmem_shared>>
      %dma_start3A_71 = arith.constant 0 : i32
      %dma_start3A_72 = arith.constant 0 : i32
      %dma_start3A_73 = tpu.memref_slice %arg11[%dma_start3A_71, %dma_start3A_72] : memref<128x128xf32, #tpu.memory_space<vmem>> -> memref<128x128xf32, #tpu.memory_space<vmem>>
      tpu.enqueue_dma source(%dma_start3A_73 : memref<128x128xf32, #tpu.memory_space<vmem>>) target(%dma_start3A_70 : memref<128x128xf32, #tpu.memory_space<vmem_shared>>) target_semaphore(%run_scoped3A : memref<!tpu.dma_semaphore, #tpu.memory_space<semaphore_mem>>)
      %dma_wait3A_74 = arith.constant 0 : i32
      %dma_wait3A_75 = arith.constant 0 : i32
      %dma_wait3A_76 = tpu.memref_slice %arg11[%dma_wait3A_74, %dma_wait3A_75] : memref<128x128xf32, #tpu.memory_space<vmem>> -> memref<128x128xf32, #tpu.memory_space<vmem>>
      %dma_wait3A_77 = arith.constant 0 : i32
      %dma_wait3A_78 = tpu.memref_slice %arg10[%add3A_26, %dma_wait3A_77] : memref<10112x128xf32, #tpu.memory_space<vmem_shared>> -> memref<128x128xf32, #tpu.memory_space<vmem_shared>>
      %dma_wait3A_79 = arith.constant 0 : i32
      %dma_wait3A_80 = tpu.memref_slice %arg10[%add3A_26, %dma_wait3A_79] : memref<10112x128xf32, #tpu.memory_space<vmem_shared>> -> memref<128x128xf32, #tpu.memory_space<vmem_shared>>
      %dma_wait3A_81 = arith.constant 0 : i32
      %dma_wait3A_82 = arith.constant 0 : i32
      %dma_wait3A_83 = tpu.memref_slice %arg11[%dma_wait3A_81, %dma_wait3A_82] : memref<128x128xf32, #tpu.memory_space<vmem>> -> memref<128x128xf32, #tpu.memory_space<vmem>>
      tpu.wait_dma2 semaphore(%run_scoped3A : memref<!tpu.dma_semaphore, #tpu.memory_space<semaphore_mem>>) src(%dma_wait3A_83 : memref<128x128xf32, #tpu.memory_space<vmem>>) dst(%dma_wait3A_80 : memref<128x128xf32, #tpu.memory_space<vmem_shared>>)
      tpu.yield
    }) : () -> ()
    %add3A_27 = arith.constant 384 : i32
    %add3A_28 = arith.addi %mul3A_20, %add3A_27 : i32
    "tpu.region"() ({
      %run_scoped3A = tpu.sem_alloc : memref<!tpu.dma_semaphore, #tpu.memory_space<semaphore_mem>>
      %dma_start3A_64 = arith.constant 0 : i32
      %dma_start3A_65 = arith.constant 0 : i32
      %dma_start3A_66 = tpu.memref_slice %arg11[%dma_start3A_64, %dma_start3A_65] : memref<128x128xf32, #tpu.memory_space<vmem>> -> memref<128x128xf32, #tpu.memory_space<vmem>>
      %dma_start3A_67 = arith.constant 0 : i32
      %dma_start3A_68 = tpu.memref_slice %arg10[%add3A_28, %dma_start3A_67] : memref<10112x128xf32, #tpu.memory_space<vmem_shared>> -> memref<128x128xf32, #tpu.memory_space<vmem_shared>>
      %dma_start3A_69 = arith.constant 0 : i32
      %dma_start3A_70 = tpu.memref_slice %arg10[%add3A_28, %dma_start3A_69] : memref<10112x128xf32, #tpu.memory_space<vmem_shared>> -> memref<128x128xf32, #tpu.memory_space<vmem_shared>>
      %dma_start3A_71 = arith.constant 0 : i32
      %dma_start3A_72 = arith.constant 0 : i32
      %dma_start3A_73 = tpu.memref_slice %arg11[%dma_start3A_71, %dma_start3A_72] : memref<128x128xf32, #tpu.memory_space<vmem>> -> memref<128x128xf32, #tpu.memory_space<vmem>>
      tpu.enqueue_dma source(%dma_start3A_73 : memref<128x128xf32, #tpu.memory_space<vmem>>) target(%dma_start3A_70 : memref<128x128xf32, #tpu.memory_space<vmem_shared>>) target_semaphore(%run_scoped3A : memref<!tpu.dma_semaphore, #tpu.memory_space<semaphore_mem>>)
      %dma_wait3A_74 = arith.constant 0 : i32
      %dma_wait3A_75 = arith.constant 0 : i32
      %dma_wait3A_76 = tpu.memref_slice %arg11[%dma_wait3A_74, %dma_wait3A_75] : memref<128x128xf32, #tpu.memory_space<vmem>> -> memref<128x128xf32, #tpu.memory_space<vmem>>
      %dma_wait3A_77 = arith.constant 0 : i32
      %dma_wait3A_78 = tpu.memref_slice %arg10[%add3A_28, %dma_wait3A_77] : memref<10112x128xf32, #tpu.memory_space<vmem_shared>> -> memref<128x128xf32, #tpu.memory_space<vmem_shared>>
      %dma_wait3A_79 = arith.constant 0 : i32
      %dma_wait3A_80 = tpu.memref_slice %arg10[%add3A_28, %dma_wait3A_79] : memref<10112x128xf32, #tpu.memory_space<vmem_shared>> -> memref<128x128xf32, #tpu.memory_space<vmem_shared>>
      %dma_wait3A_81 = arith.constant 0 : i32
      %dma_wait3A_82 = arith.constant 0 : i32
      %dma_wait3A_83 = tpu.memref_slice %arg11[%dma_wait3A_81, %dma_wait3A_82] : memref<128x128xf32, #tpu.memory_space<vmem>> -> memref<128x128xf32, #tpu.memory_space<vmem>>
      tpu.wait_dma2 semaphore(%run_scoped3A : memref<!tpu.dma_semaphore, #tpu.memory_space<semaphore_mem>>) src(%dma_wait3A_83 : memref<128x128xf32, #tpu.memory_space<vmem>>) dst(%dma_wait3A_80 : memref<128x128xf32, #tpu.memory_space<vmem_shared>>)
      tpu.yield
    }) : () -> ()
    %add3A_29 = arith.constant 512 : i32
    %add3A_30 = arith.addi %mul3A_20, %add3A_29 : i32
    "tpu.region"() ({
      %run_scoped3A = tpu.sem_alloc : memref<!tpu.dma_semaphore, #tpu.memory_space<semaphore_mem>>
      %dma_start3A_64 = arith.constant 0 : i32
      %dma_start3A_65 = arith.constant 0 : i32
      %dma_start3A_66 = tpu.memref_slice %arg11[%dma_start3A_64, %dma_start3A_65] : memref<128x128xf32, #tpu.memory_space<vmem>> -> memref<120x128xf32, #tpu.memory_space<vmem>>
      %dma_start3A_67 = arith.constant 0 : i32
      %dma_start3A_68 = tpu.memref_slice %arg10[%add3A_30, %dma_start3A_67] : memref<10112x128xf32, #tpu.memory_space<vmem_shared>> -> memref<120x128xf32, #tpu.memory_space<vmem_shared>>
      %dma_start3A_69 = arith.constant 0 : i32
      %dma_start3A_70 = tpu.memref_slice %arg10[%add3A_30, %dma_start3A_69] : memref<10112x128xf32, #tpu.memory_space<vmem_shared>> -> memref<120x128xf32, #tpu.memory_space<vmem_shared>>
      %dma_start3A_71 = arith.constant 0 : i32
      %dma_start3A_72 = arith.constant 0 : i32
      %dma_start3A_73 = tpu.memref_slice %arg11[%dma_start3A_71, %dma_start3A_72] : memref<128x128xf32, #tpu.memory_space<vmem>> -> memref<120x128xf32, #tpu.memory_space<vmem>>
      tpu.enqueue_dma source(%dma_start3A_73 : memref<120x128xf32, #tpu.memory_space<vmem>>) target(%dma_start3A_70 : memref<120x128xf32, #tpu.memory_space<vmem_shared>>) target_semaphore(%run_scoped3A : memref<!tpu.dma_semaphore, #tpu.memory_space<semaphore_mem>>)
      %dma_wait3A_74 = arith.constant 0 : i32
      %dma_wait3A_75 = arith.constant 0 : i32
      %dma_wait3A_76 = tpu.memref_slice %arg11[%dma_wait3A_74, %dma_wait3A_75] : memref<128x128xf32, #tpu.memory_space<vmem>> -> memref<120x128xf32, #tpu.memory_space<vmem>>
      %dma_wait3A_77 = arith.constant 0 : i32
      %dma_wait3A_78 = tpu.memref_slice %arg10[%add3A_30, %dma_wait3A_77] : memref<10112x128xf32, #tpu.memory_space<vmem_shared>> -> memref<120x128xf32, #tpu.memory_space<vmem_shared>>
      %dma_wait3A_79 = arith.constant 0 : i32
      %dma_wait3A_80 = tpu.memref_slice %arg10[%add3A_30, %dma_wait3A_79] : memref<10112x128xf32, #tpu.memory_space<vmem_shared>> -> memref<120x128xf32, #tpu.memory_space<vmem_shared>>
      %dma_wait3A_81 = arith.constant 0 : i32
      %dma_wait3A_82 = arith.constant 0 : i32
      %dma_wait3A_83 = tpu.memref_slice %arg11[%dma_wait3A_81, %dma_wait3A_82] : memref<128x128xf32, #tpu.memory_space<vmem>> -> memref<120x128xf32, #tpu.memory_space<vmem>>
      tpu.wait_dma2 semaphore(%run_scoped3A : memref<!tpu.dma_semaphore, #tpu.memory_space<semaphore_mem>>) src(%dma_wait3A_83 : memref<120x128xf32, #tpu.memory_space<vmem>>) dst(%dma_wait3A_80 : memref<120x128xf32, #tpu.memory_space<vmem_shared>>)
      tpu.yield
    }) : () -> ()
    %dma_wait3A = arith.constant 0 : i32
    %dma_wait3A_31 = tpu.memref_slice %arg3[%dma_wait3A] : memref<327680xi32, #tpu.memory_space<hbm>> -> memref<128xi32, #tpu.memory_space<hbm>>
    %dma_wait3A_32 = arith.constant 0 : i32
    %dma_wait3A_33 = tpu.memref_slice %arg3[%dma_wait3A_32] : memref<327680xi32, #tpu.memory_space<hbm>> -> memref<128xi32, #tpu.memory_space<hbm>>
    tpu.wait_dma2 semaphore(%arg18 : memref<!tpu.dma_semaphore, #tpu.memory_space<semaphore_mem>>) src(%dma_wait3A_33 : memref<128xi32, #tpu.memory_space<hbm>>) dst(%arg13 : memref<128xi32, #tpu.memory_space<vmem>>)
    %dma_start3A_34 = arith.constant 0 : i32
    %dma_start3A_35 = arith.constant 0 : i32
    %dma_start3A_36 = tpu.memref_slice %arg2[%dma_start3A_34, %dma_start3A_35] : memref<20000x128xf32, #tpu.memory_space<hbm>> -> memref<20000x128xf32, #tpu.memory_space<hbm>>
    tpu.enqueue_indirect_dma source(%dma_start3A_36 : memref<20000x128xf32, #tpu.memory_space<hbm>>) target(%arg11 : memref<128x128xf32, #tpu.memory_space<vmem>>) offsets(%arg13 : memref<128xi32, #tpu.memory_space<vmem>>) semaphore(%arg22 : memref<!tpu.dma_semaphore, #tpu.memory_space<semaphore_mem>>)
    %dma_wait3A_37 = arith.constant 0 : i32
    %dma_wait3A_38 = tpu.memref_slice %arg3[%dma_wait3A_37] : memref<327680xi32, #tpu.memory_space<hbm>> -> memref<128xi32, #tpu.memory_space<hbm>>
    %dma_wait3A_39 = arith.constant 0 : i32
    %dma_wait3A_40 = tpu.memref_slice %arg3[%dma_wait3A_39] : memref<327680xi32, #tpu.memory_space<hbm>> -> memref<128xi32, #tpu.memory_space<hbm>>
    tpu.wait_dma2 semaphore(%arg19 : memref<!tpu.dma_semaphore, #tpu.memory_space<semaphore_mem>>) src(%dma_wait3A_40 : memref<128xi32, #tpu.memory_space<hbm>>) dst(%arg14 : memref<128xi32, #tpu.memory_space<vmem>>)
    %dma_start3A_41 = arith.constant 0 : i32
    %dma_start3A_42 = arith.constant 0 : i32
    %dma_start3A_43 = tpu.memref_slice %arg2[%dma_start3A_41, %dma_start3A_42] : memref<20000x128xf32, #tpu.memory_space<hbm>> -> memref<20000x128xf32, #tpu.memory_space<hbm>>
    tpu.enqueue_indirect_dma source(%dma_start3A_43 : memref<20000x128xf32, #tpu.memory_space<hbm>>) target(%arg12 : memref<128x128xf32, #tpu.memory_space<vmem>>) offsets(%arg14 : memref<128xi32, #tpu.memory_space<vmem>>) semaphore(%arg23 : memref<!tpu.dma_semaphore, #tpu.memory_space<semaphore_mem>>)
    "tpu.region"() ({
      %run_scoped3A = tpu.sem_alloc : memref<!tpu.dma_semaphore, #tpu.memory_space<semaphore_mem>>
      tpu.enqueue_dma source(%arg6 : memref<10240xf32, #tpu.memory_space<hbm>>) target(%arg17 : memref<10240xf32, #tpu.memory_space<vmem>>) target_semaphore(%run_scoped3A : memref<!tpu.dma_semaphore, #tpu.memory_space<semaphore_mem>>)
      tpu.wait_dma2 semaphore(%run_scoped3A : memref<!tpu.dma_semaphore, #tpu.memory_space<semaphore_mem>>) src(%arg6 : memref<10240xf32, #tpu.memory_space<hbm>>) dst(%arg17 : memref<10240xf32, #tpu.memory_space<vmem>>)
      tpu.yield
    }) : () -> ()
    %barrier3A = arith.constant 0 : index
    tpu.barrier barrier_id(%barrier3A)
    %scan3A = arith.constant 0 : i32
    %scan3A_44 = arith.constant 0 : i32
    %scan3A_45 = arith.constant 40 : i32
    %scan3A_46 = arith.addi %scan3A_44, %scan3A_45 : i32
    %scan3A_47 = arith.constant 1 : i32
    scf.for %scan3A_64 = %scan3A_44 to %scan3A_46 step %scan3A_47  : i32 {
      %mul3A_65 = arith.constant 2 : i32
      %mul3A_66 = arith.muli %scan3A_64, %mul3A_65 : i32
      %dma_wait3A_67 = arith.constant 0 : i32
      %dma_wait3A_68 = arith.constant 0 : i32
      %dma_wait3A_69 = tpu.memref_slice %arg2[%dma_wait3A_67, %dma_wait3A_68] : memref<20000x128xf32, #tpu.memory_space<hbm>> -> memref<20000x128xf32, #tpu.memory_space<hbm>>
      tpu.wait_indirect_dma semaphore(%arg22 : memref<!tpu.dma_semaphore, #tpu.memory_space<semaphore_mem>>) src(%dma_wait3A_69 : memref<20000x128xf32, #tpu.memory_space<hbm>>) dst(%arg11 : memref<128x128xf32, #tpu.memory_space<vmem>>)
      %dma_wait3A_70 = arith.constant 0 : i32
      %dma_wait3A_71 = tpu.memref_slice %arg4[%dma_wait3A_70] : memref<163840xi32, #tpu.memory_space<hbm>> -> memref<128xi32, #tpu.memory_space<hbm>>
      %dma_wait3A_72 = arith.constant 0 : i32
      %dma_wait3A_73 = tpu.memref_slice %arg4[%dma_wait3A_72] : memref<163840xi32, #tpu.memory_space<hbm>> -> memref<128xi32, #tpu.memory_space<hbm>>
      tpu.wait_dma2 semaphore(%arg20 : memref<!tpu.dma_semaphore, #tpu.memory_space<semaphore_mem>>) src(%dma_wait3A_73 : memref<128xi32, #tpu.memory_space<hbm>>) dst(%arg15 : memref<128xi32, #tpu.memory_space<vmem>>)
      %eq3A_74 = arith.constant 0 : i32
      %eq3A_75 = arith.cmpi eq, %arg0, %eq3A_74 : i32
      %convert_element_type3A_76 = arith.extui %eq3A_75 : i1 to i32
      %cond3A_77 = arith.constant 0 : i32
      %cond3A_78 = arith.cmpi ne, %convert_element_type3A_76, %cond3A_77 : i32
      scf.if %cond3A_78 {
        %get3A = arith.constant 0 : index
        %get3A_100 = tpu.vector_load %arg15[%get3A] {strides = array<i32>} : memref<128xi32, #tpu.memory_space<vmem>>, vector<16xi32>,
        %get3A_101 = arith.constant 16 : index
        %get3A_102 = tpu.vector_load %arg15[%get3A_101] {strides = array<i32>} : memref<128xi32, #tpu.memory_space<vmem>>, vector<16xi32>,
        %get3A_103 = arith.constant 32 : index
        %get3A_104 = tpu.vector_load %arg15[%get3A_103] {strides = array<i32>} : memref<128xi32, #tpu.memory_space<vmem>>, vector<16xi32>,
        %get3A_105 = arith.constant 48 : index
        %get3A_106 = tpu.vector_load %arg15[%get3A_105] {strides = array<i32>} : memref<128xi32, #tpu.memory_space<vmem>>, vector<16xi32>,
        %get3A_107 = arith.constant 64 : index
        %get3A_108 = tpu.vector_load %arg15[%get3A_107] {strides = array<i32>} : memref<128xi32, #tpu.memory_space<vmem>>, vector<16xi32>,
        %get3A_109 = arith.constant 80 : index
        %get3A_110 = tpu.vector_load %arg15[%get3A_109] {strides = array<i32>} : memref<128xi32, #tpu.memory_space<vmem>>, vector<16xi32>,
        %get3A_111 = arith.constant 96 : index
        %get3A_112 = tpu.vector_load %arg15[%get3A_111] {strides = array<i32>} : memref<128xi32, #tpu.memory_space<vmem>>, vector<16xi32>,
        %get3A_113 = arith.constant 112 : index
        %get3A_114 = tpu.vector_load %arg15[%get3A_113] {strides = array<i32>} : memref<128xi32, #tpu.memory_space<vmem>>, vector<16xi32>,
        tpu.vector_store_idx %arg17[%get3A_100], %broadcast_in_dim3A_0 {add = true} : memref<10240xf32, #tpu.memory_space<vmem>>[vector<16xi32>], vector<16xf32>,
        tpu.vector_store_idx %arg17[%get3A_102], %broadcast_in_dim3A_0 {add = true} : memref<10240xf32, #tpu.memory_space<vmem>>[vector<16xi32>], vector<16xf32>,
        tpu.vector_store_idx %arg17[%get3A_104], %broadcast_in_dim3A_0 {add = true} : memref<10240xf32, #tpu.memory_space<vmem>>[vector<16xi32>], vector<16xf32>,
        tpu.vector_store_idx %arg17[%get3A_106], %broadcast_in_dim3A_0 {add = true} : memref<10240xf32, #tpu.memory_space<vmem>>[vector<16xi32>], vector<16xf32>,
        tpu.vector_store_idx %arg17[%get3A_108], %broadcast_in_dim3A_0 {add = true} : memref<10240xf32, #tpu.memory_space<vmem>>[vector<16xi32>], vector<16xf32>,
        tpu.vector_store_idx %arg17[%get3A_110], %broadcast_in_dim3A_0 {add = true} : memref<10240xf32, #tpu.memory_space<vmem>>[vector<16xi32>], vector<16xf32>,
        tpu.vector_store_idx %arg17[%get3A_112], %broadcast_in_dim3A_0 {add = true} : memref<10240xf32, #tpu.memory_space<vmem>>[vector<16xi32>], vector<16xf32>,
        tpu.vector_store_idx %arg17[%get3A_114], %broadcast_in_dim3A_0 {add = true} : memref<10240xf32, #tpu.memory_space<vmem>>[vector<16xi32>], vector<16xf32>,
      } else {
      }
      "tpu.region"() ({
        %run_scoped3A = tpu.sem_alloc : memref<!tpu.dma_semaphore, #tpu.memory_space<semaphore_mem>>
        %dma_start3A_100 = arith.constant 0 : i32
        %dma_start3A_101 = arith.constant 0 : i32
        %dma_start3A_102 = tpu.memref_slice %arg10[%dma_start3A_100, %dma_start3A_101] : memref<10112x128xf32, #tpu.memory_space<vmem_shared>> -> memref<10112x128xf32, #tpu.memory_space<vmem_shared>>
        tpu.enqueue_indirect_dma source(%arg11 : memref<128x128xf32, #tpu.memory_space<vmem>>) target(%dma_start3A_102 : memref<10112x128xf32, #tpu.memory_space<vmem_shared>>) offsets(%arg15 : memref<128xi32, #tpu.memory_space<vmem>>) semaphore(%run_scoped3A : memref<!tpu.dma_semaphore, #tpu.memory_space<semaphore_mem>>) {add = true}
        %dma_wait3A_103 = arith.constant 0 : i32
        %dma_wait3A_104 = arith.constant 0 : i32
        %dma_wait3A_105 = tpu.memref_slice %arg10[%dma_wait3A_103, %dma_wait3A_104] : memref<10112x128xf32, #tpu.memory_space<vmem_shared>> -> memref<10112x128xf32, #tpu.memory_space<vmem_shared>>
        tpu.wait_indirect_dma semaphore(%run_scoped3A : memref<!tpu.dma_semaphore, #tpu.memory_space<semaphore_mem>>) src(%arg11 : memref<128x128xf32, #tpu.memory_space<vmem>>) dst(%dma_wait3A_105 : memref<10112x128xf32, #tpu.memory_space<vmem_shared>>)
        tpu.yield
      }) : () -> ()
      %lt3A = arith.constant 39 : i32
      %lt3A_79 = arith.cmpi slt, %scan3A_64, %lt3A : i32
      %convert_element_type3A_80 = arith.extui %lt3A_79 : i1 to i32
      %cond3A_81 = arith.constant 0 : i32
      %cond3A_82 = arith.cmpi ne, %convert_element_type3A_80, %cond3A_81 : i32
      scf.if %cond3A_82 {
        %add3A_100 = arith.constant 2 : i32
        %add3A_101 = arith.addi %mul3A_66, %add3A_100 : i32
        %mul3A_102 = arith.constant 128 : i32
        %mul3A_103 = arith.muli %add3A_101, %mul3A_102 : i32
        %add3A_104 = arith.addi %mul3A_1, %mul3A_103 : i32
        %multiple_of3A_105 = tpu.assume_multiple %add3A_104, 128 : i32
        %add3A_106 = arith.addi %mul3A_3, %multiple_of3A_105 : i32
        %multiple_of3A_107 = tpu.assume_multiple %add3A_106, 128 : i32
        %dma_start3A_108 = tpu.memref_slice %arg3[%multiple_of3A_107] : memref<327680xi32, #tpu.memory_space<hbm>> -> memref<128xi32, #tpu.memory_space<hbm>>
        %dma_start3A_109 = tpu.memref_slice %arg3[%multiple_of3A_107] : memref<327680xi32, #tpu.memory_space<hbm>> -> memref<128xi32, #tpu.memory_space<hbm>>
        tpu.enqueue_dma source(%dma_start3A_109 : memref<128xi32, #tpu.memory_space<hbm>>) target(%arg13 : memref<128xi32, #tpu.memory_space<vmem>>) target_semaphore(%arg18 : memref<!tpu.dma_semaphore, #tpu.memory_space<semaphore_mem>>)
        %dma_start3A_110 = tpu.memref_slice %arg4[%multiple_of3A_105] : memref<163840xi32, #tpu.memory_space<hbm>> -> memref<128xi32, #tpu.memory_space<hbm>>
        %dma_start3A_111 = tpu.memref_slice %arg4[%multiple_of3A_105] : memref<163840xi32, #tpu.memory_space<hbm>> -> memref<128xi32, #tpu.memory_space<hbm>>
        tpu.enqueue_dma source(%dma_start3A_111 : memref<128xi32, #tpu.memory_space<hbm>>) target(%arg15 : memref<128xi32, #tpu.memory_space<vmem>>) target_semaphore(%arg20 : memref<!tpu.dma_semaphore, #tpu.memory_space<semaphore_mem>>)
        %dma_wait3A_112 = arith.constant 0 : i32
        %dma_wait3A_113 = tpu.memref_slice %arg3[%dma_wait3A_112] : memref<327680xi32, #tpu.memory_space<hbm>> -> memref<128xi32, #tpu.memory_space<hbm>>
        %dma_wait3A_114 = arith.constant 0 : i32
        %dma_wait3A_115 = tpu.memref_slice %arg3[%dma_wait3A_114] : memref<327680xi32, #tpu.memory_space<hbm>> -> memref<128xi32, #tpu.memory_space<hbm>>
        tpu.wait_dma2 semaphore(%arg18 : memref<!tpu.dma_semaphore, #tpu.memory_space<semaphore_mem>>) src(%dma_wait3A_115 : memref<128xi32, #tpu.memory_space<hbm>>) dst(%arg13 : memref<128xi32, #tpu.memory_space<vmem>>)
        %dma_start3A_116 = arith.constant 0 : i32
        %dma_start3A_117 = arith.constant 0 : i32
        %dma_start3A_118 = tpu.memref_slice %arg2[%dma_start3A_116, %dma_start3A_117] : memref<20000x128xf32, #tpu.memory_space<hbm>> -> memref<20000x128xf32, #tpu.memory_space<hbm>>
        tpu.enqueue_indirect_dma source(%dma_start3A_118 : memref<20000x128xf32, #tpu.memory_space<hbm>>) target(%arg11 : memref<128x128xf32, #tpu.memory_space<vmem>>) offsets(%arg13 : memref<128xi32, #tpu.memory_space<vmem>>) semaphore(%arg22 : memref<!tpu.dma_semaphore, #tpu.memory_space<semaphore_mem>>)
      } else {
      }
      %dma_wait3A_83 = arith.constant 0 : i32
      %dma_wait3A_84 = arith.constant 0 : i32
      %dma_wait3A_85 = tpu.memref_slice %arg2[%dma_wait3A_83, %dma_wait3A_84] : memref<20000x128xf32, #tpu.memory_space<hbm>> -> memref<20000x128xf32, #tpu.memory_space<hbm>>
      tpu.wait_indirect_dma semaphore(%arg23 : memref<!tpu.dma_semaphore, #tpu.memory_space<semaphore_mem>>) src(%dma_wait3A_85 : memref<20000x128xf32, #tpu.memory_space<hbm>>) dst(%arg12 : memref<128x128xf32, #tpu.memory_space<vmem>>)
      %dma_wait3A_86 = arith.constant 0 : i32
      %dma_wait3A_87 = tpu.memref_slice %arg4[%dma_wait3A_86] : memref<163840xi32, #tpu.memory_space<hbm>> -> memref<128xi32, #tpu.memory_space<hbm>>
      %dma_wait3A_88 = arith.constant 0 : i32
      %dma_wait3A_89 = tpu.memref_slice %arg4[%dma_wait3A_88] : memref<163840xi32, #tpu.memory_space<hbm>> -> memref<128xi32, #tpu.memory_space<hbm>>
      tpu.wait_dma2 semaphore(%arg21 : memref<!tpu.dma_semaphore, #tpu.memory_space<semaphore_mem>>) src(%dma_wait3A_89 : memref<128xi32, #tpu.memory_space<hbm>>) dst(%arg16 : memref<128xi32, #tpu.memory_space<vmem>>)
      %eq3A_90 = arith.constant 1 : i32
      %eq3A_91 = arith.cmpi eq, %arg0, %eq3A_90 : i32
      %convert_element_type3A_92 = arith.extui %eq3A_91 : i1 to i32
      %cond3A_93 = arith.constant 0 : i32
      %cond3A_94 = arith.cmpi ne, %convert_element_type3A_92, %cond3A_93 : i32
      scf.if %cond3A_94 {
        %get3A = arith.constant 0 : index
        %get3A_100 = tpu.vector_load %arg16[%get3A] {strides = array<i32>} : memref<128xi32, #tpu.memory_space<vmem>>, vector<16xi32>,
        %get3A_101 = arith.constant 16 : index
        %get3A_102 = tpu.vector_load %arg16[%get3A_101] {strides = array<i32>} : memref<128xi32, #tpu.memory_space<vmem>>, vector<16xi32>,
        %get3A_103 = arith.constant 32 : index
        %get3A_104 = tpu.vector_load %arg16[%get3A_103] {strides = array<i32>} : memref<128xi32, #tpu.memory_space<vmem>>, vector<16xi32>,
        %get3A_105 = arith.constant 48 : index
        %get3A_106 = tpu.vector_load %arg16[%get3A_105] {strides = array<i32>} : memref<128xi32, #tpu.memory_space<vmem>>, vector<16xi32>,
        %get3A_107 = arith.constant 64 : index
        %get3A_108 = tpu.vector_load %arg16[%get3A_107] {strides = array<i32>} : memref<128xi32, #tpu.memory_space<vmem>>, vector<16xi32>,
        %get3A_109 = arith.constant 80 : index
        %get3A_110 = tpu.vector_load %arg16[%get3A_109] {strides = array<i32>} : memref<128xi32, #tpu.memory_space<vmem>>, vector<16xi32>,
        %get3A_111 = arith.constant 96 : index
        %get3A_112 = tpu.vector_load %arg16[%get3A_111] {strides = array<i32>} : memref<128xi32, #tpu.memory_space<vmem>>, vector<16xi32>,
        %get3A_113 = arith.constant 112 : index
        %get3A_114 = tpu.vector_load %arg16[%get3A_113] {strides = array<i32>} : memref<128xi32, #tpu.memory_space<vmem>>, vector<16xi32>,
        tpu.vector_store_idx %arg17[%get3A_100], %broadcast_in_dim3A_0 {add = true} : memref<10240xf32, #tpu.memory_space<vmem>>[vector<16xi32>], vector<16xf32>,
        tpu.vector_store_idx %arg17[%get3A_102], %broadcast_in_dim3A_0 {add = true} : memref<10240xf32, #tpu.memory_space<vmem>>[vector<16xi32>], vector<16xf32>,
        tpu.vector_store_idx %arg17[%get3A_104], %broadcast_in_dim3A_0 {add = true} : memref<10240xf32, #tpu.memory_space<vmem>>[vector<16xi32>], vector<16xf32>,
        tpu.vector_store_idx %arg17[%get3A_106], %broadcast_in_dim3A_0 {add = true} : memref<10240xf32, #tpu.memory_space<vmem>>[vector<16xi32>], vector<16xf32>,
        tpu.vector_store_idx %arg17[%get3A_108], %broadcast_in_dim3A_0 {add = true} : memref<10240xf32, #tpu.memory_space<vmem>>[vector<16xi32>], vector<16xf32>,
        tpu.vector_store_idx %arg17[%get3A_110], %broadcast_in_dim3A_0 {add = true} : memref<10240xf32, #tpu.memory_space<vmem>>[vector<16xi32>], vector<16xf32>,
        tpu.vector_store_idx %arg17[%get3A_112], %broadcast_in_dim3A_0 {add = true} : memref<10240xf32, #tpu.memory_space<vmem>>[vector<16xi32>], vector<16xf32>,
        tpu.vector_store_idx %arg17[%get3A_114], %broadcast_in_dim3A_0 {add = true} : memref<10240xf32, #tpu.memory_space<vmem>>[vector<16xi32>], vector<16xf32>,
      } else {
      }
      "tpu.region"() ({
        %run_scoped3A = tpu.sem_alloc : memref<!tpu.dma_semaphore, #tpu.memory_space<semaphore_mem>>
        %dma_start3A_100 = arith.constant 0 : i32
        %dma_start3A_101 = arith.constant 0 : i32
        %dma_start3A_102 = tpu.memref_slice %arg10[%dma_start3A_100, %dma_start3A_101] : memref<10112x128xf32, #tpu.memory_space<vmem_shared>> -> memref<10112x128xf32, #tpu.memory_space<vmem_shared>>
        tpu.enqueue_indirect_dma source(%arg12 : memref<128x128xf32, #tpu.memory_space<vmem>>) target(%dma_start3A_102 : memref<10112x128xf32, #tpu.memory_space<vmem_shared>>) offsets(%arg16 : memref<128xi32, #tpu.memory_space<vmem>>) semaphore(%run_scoped3A : memref<!tpu.dma_semaphore, #tpu.memory_space<semaphore_mem>>) {add = true}
        %dma_wait3A_103 = arith.constant 0 : i32
        %dma_wait3A_104 = arith.constant 0 : i32
        %dma_wait3A_105 = tpu.memref_slice %arg10[%dma_wait3A_103, %dma_wait3A_104] : memref<10112x128xf32, #tpu.memory_space<vmem_shared>> -> memref<10112x128xf32, #tpu.memory_space<vmem_shared>>
        tpu.wait_indirect_dma semaphore(%run_scoped3A : memref<!tpu.dma_semaphore, #tpu.memory_space<semaphore_mem>>) src(%arg12 : memref<128x128xf32, #tpu.memory_space<vmem>>) dst(%dma_wait3A_105 : memref<10112x128xf32, #tpu.memory_space<vmem_shared>>)
        tpu.yield
      }) : () -> ()
      %lt3A_95 = arith.constant 39 : i32
      %lt3A_96 = arith.cmpi slt, %scan3A_64, %lt3A_95 : i32
      %convert_element_type3A_97 = arith.extui %lt3A_96 : i1 to i32
      %cond3A_98 = arith.constant 0 : i32
      %cond3A_99 = arith.cmpi ne, %convert_element_type3A_97, %cond3A_98 : i32
      scf.if %cond3A_99 {
        %add3A_100 = arith.constant 3 : i32
        %add3A_101 = arith.addi %mul3A_66, %add3A_100 : i32
        %mul3A_102 = arith.constant 128 : i32
        %mul3A_103 = arith.muli %add3A_101, %mul3A_102 : i32
        %add3A_104 = arith.addi %mul3A_1, %mul3A_103 : i32
        %multiple_of3A_105 = tpu.assume_multiple %add3A_104, 128 : i32
        %add3A_106 = arith.addi %mul3A_3, %multiple_of3A_105 : i32
        %multiple_of3A_107 = tpu.assume_multiple %add3A_106, 128 : i32
        %dma_start3A_108 = tpu.memref_slice %arg3[%multiple_of3A_107] : memref<327680xi32, #tpu.memory_space<hbm>> -> memref<128xi32, #tpu.memory_space<hbm>>
        %dma_start3A_109 = tpu.memref_slice %arg3[%multiple_of3A_107] : memref<327680xi32, #tpu.memory_space<hbm>> -> memref<128xi32, #tpu.memory_space<hbm>>
        tpu.enqueue_dma source(%dma_start3A_109 : memref<128xi32, #tpu.memory_space<hbm>>) target(%arg14 : memref<128xi32, #tpu.memory_space<vmem>>) target_semaphore(%arg19 : memref<!tpu.dma_semaphore, #tpu.memory_space<semaphore_mem>>)
        %dma_start3A_110 = tpu.memref_slice %arg4[%multiple_of3A_105] : memref<163840xi32, #tpu.memory_space<hbm>> -> memref<128xi32, #tpu.memory_space<hbm>>
        %dma_start3A_111 = tpu.memref_slice %arg4[%multiple_of3A_105] : memref<163840xi32, #tpu.memory_space<hbm>> -> memref<128xi32, #tpu.memory_space<hbm>>
        tpu.enqueue_dma source(%dma_start3A_111 : memref<128xi32, #tpu.memory_space<hbm>>) target(%arg16 : memref<128xi32, #tpu.memory_space<vmem>>) target_semaphore(%arg21 : memref<!tpu.dma_semaphore, #tpu.memory_space<semaphore_mem>>)
        %dma_wait3A_112 = arith.constant 0 : i32
        %dma_wait3A_113 = tpu.memref_slice %arg3[%dma_wait3A_112] : memref<327680xi32, #tpu.memory_space<hbm>> -> memref<128xi32, #tpu.memory_space<hbm>>
        %dma_wait3A_114 = arith.constant 0 : i32
        %dma_wait3A_115 = tpu.memref_slice %arg3[%dma_wait3A_114] : memref<327680xi32, #tpu.memory_space<hbm>> -> memref<128xi32, #tpu.memory_space<hbm>>
        tpu.wait_dma2 semaphore(%arg19 : memref<!tpu.dma_semaphore, #tpu.memory_space<semaphore_mem>>) src(%dma_wait3A_115 : memref<128xi32, #tpu.memory_space<hbm>>) dst(%arg14 : memref<128xi32, #tpu.memory_space<vmem>>)
        %dma_start3A_116 = arith.constant 0 : i32
        %dma_start3A_117 = arith.constant 0 : i32
        %dma_start3A_118 = tpu.memref_slice %arg2[%dma_start3A_116, %dma_start3A_117] : memref<20000x128xf32, #tpu.memory_space<hbm>> -> memref<20000x128xf32, #tpu.memory_space<hbm>>
        tpu.enqueue_indirect_dma source(%dma_start3A_118 : memref<20000x128xf32, #tpu.memory_space<hbm>>) target(%arg12 : memref<128x128xf32, #tpu.memory_space<vmem>>) offsets(%arg14 : memref<128xi32, #tpu.memory_space<vmem>>) semaphore(%arg23 : memref<!tpu.dma_semaphore, #tpu.memory_space<semaphore_mem>>)
      } else {
      }
    }
    %scan3A_48 = arith.constant 40 : i32
    %barrier3A_49 = arith.constant 0 : index
    tpu.barrier barrier_id(%barrier3A_49)
    %mul3A_50 = arith.constant 16 : i32
    %mul3A_51 = arith.muli %arg0, %mul3A_50 : i32
    %add3A_52 = arith.addi %mul3A_51, %arg1 : i32
    %mul3A_53 = arith.constant 80 : i32
    %mul3A_54 = arith.muli %add3A_52, %mul3A_53 : i32
    %mul3A_55 = arith.constant 128 : i32
    %mul3A_56 = arith.muli %mul3A_54, %mul3A_55 : i32
    "tpu.region"() ({
      %run_scoped3A = tpu.sem_alloc : memref<!tpu.dma_semaphore, #tpu.memory_space<semaphore_mem>>
      %dma_start3A_64 = tpu.memref_slice %arg9[%mul3A_56] : memref<327680xf32, #tpu.memory_space<hbm>> -> memref<10240xf32, #tpu.memory_space<hbm>>
      %dma_start3A_65 = tpu.memref_slice %arg9[%mul3A_56] : memref<327680xf32, #tpu.memory_space<hbm>> -> memref<10240xf32, #tpu.memory_space<hbm>>
      tpu.enqueue_dma source(%arg17 : memref<10240xf32, #tpu.memory_space<vmem>>) target(%dma_start3A_65 : memref<10240xf32, #tpu.memory_space<hbm>>) target_semaphore(%run_scoped3A : memref<!tpu.dma_semaphore, #tpu.memory_space<semaphore_mem>>)
      %dma_wait3A_66 = tpu.memref_slice %arg9[%mul3A_56] : memref<327680xf32, #tpu.memory_space<hbm>> -> memref<10240xf32, #tpu.memory_space<hbm>>
      %dma_wait3A_67 = tpu.memref_slice %arg9[%mul3A_56] : memref<327680xf32, #tpu.memory_space<hbm>> -> memref<10240xf32, #tpu.memory_space<hbm>>
      tpu.wait_dma2 semaphore(%run_scoped3A : memref<!tpu.dma_semaphore, #tpu.memory_space<semaphore_mem>>) src(%arg17 : memref<10240xf32, #tpu.memory_space<vmem>>) dst(%dma_wait3A_67 : memref<10240xf32, #tpu.memory_space<hbm>>)
      tpu.yield
    }) : () -> ()
    %eq3A = arith.constant 0 : i32
    %eq3A_57 = arith.cmpi eq, %arg0, %eq3A : i32
    %convert_element_type3A = arith.extui %eq3A_57 : i1 to i32
    %cond3A = arith.constant 0 : i32
    %cond3A_58 = arith.cmpi ne, %convert_element_type3A, %cond3A : i32
    scf.if %cond3A_58 {
      %mul3A_64 = arith.constant 624 : i32
      %mul3A_65 = arith.muli %arg1, %mul3A_64 : i32
      %add3A_66 = arith.constant 0 : i32
      %add3A_67 = arith.addi %mul3A_65, %add3A_66 : i32
      "tpu.region"() ({
        %run_scoped3A = tpu.sem_alloc : memref<!tpu.dma_semaphore, #tpu.memory_space<semaphore_mem>>
        %dma_start3A_206 = arith.constant 0 : i32
        %dma_start3A_207 = arith.constant 0 : i32
        %dma_start3A_208 = tpu.memref_slice %arg11[%dma_start3A_206, %dma_start3A_207] : memref<128x128xf32, #tpu.memory_space<vmem>> -> memref<128x128xf32, #tpu.memory_space<vmem>>
        %dma_start3A_209 = arith.constant 0 : i32
        %dma_start3A_210 = tpu.memref_slice %arg10[%add3A_67, %dma_start3A_209] : memref<10112x128xf32, #tpu.memory_space<vmem_shared>> -> memref<128x128xf32, #tpu.memory_space<vmem_shared>>
        %dma_start3A_211 = arith.constant 0 : i32
        %dma_start3A_212 = arith.constant 0 : i32
        %dma_start3A_213 = tpu.memref_slice %arg11[%dma_start3A_211, %dma_start3A_212] : memref<128x128xf32, #tpu.memory_space<vmem>> -> memref<128x128xf32, #tpu.memory_space<vmem>>
        %dma_start3A_214 = arith.constant 0 : i32
        %dma_start3A_215 = tpu.memref_slice %arg10[%add3A_67, %dma_start3A_214] : memref<10112x128xf32, #tpu.memory_space<vmem_shared>> -> memref<128x128xf32, #tpu.memory_space<vmem_shared>>
        tpu.enqueue_dma source(%dma_start3A_215 : memref<128x128xf32, #tpu.memory_space<vmem_shared>>) target(%dma_start3A_213 : memref<128x128xf32, #tpu.memory_space<vmem>>) target_semaphore(%run_scoped3A : memref<!tpu.dma_semaphore, #tpu.memory_space<semaphore_mem>>)
        %dma_wait3A_216 = arith.constant 0 : i32
        %dma_wait3A_217 = arith.constant 0 : i32
        %dma_wait3A_218 = tpu.memref_slice %arg11[%dma_wait3A_216, %dma_wait3A_217] : memref<128x128xf32, #tpu.memory_space<vmem>> -> memref<128x128xf32, #tpu.memory_space<vmem>>
        %dma_wait3A_219 = arith.constant 0 : i32
        %dma_wait3A_220 = tpu.memref_slice %arg10[%add3A_67, %dma_wait3A_219] : memref<10112x128xf32, #tpu.memory_space<vmem_shared>> -> memref<128x128xf32, #tpu.memory_space<vmem_shared>>
        %dma_wait3A_221 = arith.constant 0 : i32
        %dma_wait3A_222 = arith.constant 0 : i32
        %dma_wait3A_223 = tpu.memref_slice %arg11[%dma_wait3A_221, %dma_wait3A_222] : memref<128x128xf32, #tpu.memory_space<vmem>> -> memref<128x128xf32, #tpu.memory_space<vmem>>
        %dma_wait3A_224 = arith.constant 0 : i32
        %dma_wait3A_225 = tpu.memref_slice %arg10[%add3A_67, %dma_wait3A_224] : memref<10112x128xf32, #tpu.memory_space<vmem_shared>> -> memref<128x128xf32, #tpu.memory_space<vmem_shared>>
        tpu.wait_dma2 semaphore(%run_scoped3A : memref<!tpu.dma_semaphore, #tpu.memory_space<semaphore_mem>>) src(%dma_wait3A_225 : memref<128x128xf32, #tpu.memory_space<vmem_shared>>) dst(%dma_wait3A_223 : memref<128x128xf32, #tpu.memory_space<vmem>>)
        tpu.yield
      }) : () -> ()
      %add3A_68 = arith.constant 0 : i32
      %add3A_69 = arith.addi %mul3A_65, %add3A_68 : i32
      %dma_start3A_70 = arith.constant 0 : i32
      %dma_start3A_71 = arith.constant 0 : i32
      %dma_start3A_72 = tpu.memref_slice %arg11[%dma_start3A_70, %dma_start3A_71] : memref<128x128xf32, #tpu.memory_space<vmem>> -> memref<128x128xf32, #tpu.memory_space<vmem>>
      %dma_start3A_73 = arith.constant 0 : i32
      %dma_start3A_74 = tpu.memref_slice %arg7[%add3A_69, %dma_start3A_73] : memref<10000x128xf32, #tpu.memory_space<hbm>> -> memref<128x128xf32, #tpu.memory_space<hbm>>
      %dma_start3A_75 = arith.constant 0 : i32
      %dma_start3A_76 = tpu.memref_slice %arg7[%add3A_69, %dma_start3A_75] : memref<10000x128xf32, #tpu.memory_space<hbm>> -> memref<128x128xf32, #tpu.memory_space<hbm>>
      %dma_start3A_77 = arith.constant 0 : i32
      %dma_start3A_78 = arith.constant 0 : i32
      %dma_start3A_79 = tpu.memref_slice %arg11[%dma_start3A_77, %dma_start3A_78] : memref<128x128xf32, #tpu.memory_space<vmem>> -> memref<128x128xf32, #tpu.memory_space<vmem>>
      tpu.enqueue_dma source(%dma_start3A_79 : memref<128x128xf32, #tpu.memory_space<vmem>>) target(%dma_start3A_76 : memref<128x128xf32, #tpu.memory_space<hbm>>) target_semaphore(%arg22 : memref<!tpu.dma_semaphore, #tpu.memory_space<semaphore_mem>>)
      %add3A_80 = arith.constant 128 : i32
      %add3A_81 = arith.addi %mul3A_65, %add3A_80 : i32
      "tpu.region"() ({
        %run_scoped3A = tpu.sem_alloc : memref<!tpu.dma_semaphore, #tpu.memory_space<semaphore_mem>>
        %dma_start3A_206 = arith.constant 0 : i32
        %dma_start3A_207 = arith.constant 0 : i32
        %dma_start3A_208 = tpu.memref_slice %arg12[%dma_start3A_206, %dma_start3A_207] : memref<128x128xf32, #tpu.memory_space<vmem>> -> memref<128x128xf32, #tpu.memory_space<vmem>>
        %dma_start3A_209 = arith.constant 0 : i32
        %dma_start3A_210 = tpu.memref_slice %arg10[%add3A_81, %dma_start3A_209] : memref<10112x128xf32, #tpu.memory_space<vmem_shared>> -> memref<128x128xf32, #tpu.memory_space<vmem_shared>>
        %dma_start3A_211 = arith.constant 0 : i32
        %dma_start3A_212 = arith.constant 0 : i32
        %dma_start3A_213 = tpu.memref_slice %arg12[%dma_start3A_211, %dma_start3A_212] : memref<128x128xf32, #tpu.memory_space<vmem>> -> memref<128x128xf32, #tpu.memory_space<vmem>>
        %dma_start3A_214 = arith.constant 0 : i32
        %dma_start3A_215 = tpu.memref_slice %arg10[%add3A_81, %dma_start3A_214] : memref<10112x128xf32, #tpu.memory_space<vmem_shared>> -> memref<128x128xf32, #tpu.memory_space<vmem_shared>>
        tpu.enqueue_dma source(%dma_start3A_215 : memref<128x128xf32, #tpu.memory_space<vmem_shared>>) target(%dma_start3A_213 : memref<128x128xf32, #tpu.memory_space<vmem>>) target_semaphore(%run_scoped3A : memref<!tpu.dma_semaphore, #tpu.memory_space<semaphore_mem>>)
        %dma_wait3A_216 = arith.constant 0 : i32
        %dma_wait3A_217 = arith.constant 0 : i32
        %dma_wait3A_218 = tpu.memref_slice %arg12[%dma_wait3A_216, %dma_wait3A_217] : memref<128x128xf32, #tpu.memory_space<vmem>> -> memref<128x128xf32, #tpu.memory_space<vmem>>
        %dma_wait3A_219 = arith.constant 0 : i32
        %dma_wait3A_220 = tpu.memref_slice %arg10[%add3A_81, %dma_wait3A_219] : memref<10112x128xf32, #tpu.memory_space<vmem_shared>> -> memref<128x128xf32, #tpu.memory_space<vmem_shared>>
        %dma_wait3A_221 = arith.constant 0 : i32
        %dma_wait3A_222 = arith.constant 0 : i32
        %dma_wait3A_223 = tpu.memref_slice %arg12[%dma_wait3A_221, %dma_wait3A_222] : memref<128x128xf32, #tpu.memory_space<vmem>> -> memref<128x128xf32, #tpu.memory_space<vmem>>
        %dma_wait3A_224 = arith.constant 0 : i32
        %dma_wait3A_225 = tpu.memref_slice %arg10[%add3A_81, %dma_wait3A_224] : memref<10112x128xf32, #tpu.memory_space<vmem_shared>> -> memref<128x128xf32, #tpu.memory_space<vmem_shared>>
        tpu.wait_dma2 semaphore(%run_scoped3A : memref<!tpu.dma_semaphore, #tpu.memory_space<semaphore_mem>>) src(%dma_wait3A_225 : memref<128x128xf32, #tpu.memory_space<vmem_shared>>) dst(%dma_wait3A_223 : memref<128x128xf32, #tpu.memory_space<vmem>>)
        tpu.yield
      }) : () -> ()
      %add3A_82 = arith.constant 128 : i32
      %add3A_83 = arith.addi %mul3A_65, %add3A_82 : i32
      %dma_start3A_84 = arith.constant 0 : i32
      %dma_start3A_85 = arith.constant 0 : i32
      %dma_start3A_86 = tpu.memref_slice %arg12[%dma_start3A_84, %dma_start3A_85] : memref<128x128xf32, #tpu.memory_space<vmem>> -> memref<128x128xf32, #tpu.memory_space<vmem>>
      %dma_start3A_87 = arith.constant 0 : i32
      %dma_start3A_88 = tpu.memref_slice %arg7[%add3A_83, %dma_start3A_87] : memref<10000x128xf32, #tpu.memory_space<hbm>> -> memref<128x128xf32, #tpu.memory_space<hbm>>
      %dma_start3A_89 = arith.constant 0 : i32
      %dma_start3A_90 = tpu.memref_slice %arg7[%add3A_83, %dma_start3A_89] : memref<10000x128xf32, #tpu.memory_space<hbm>> -> memref<128x128xf32, #tpu.memory_space<hbm>>
      %dma_start3A_91 = arith.constant 0 : i32
      %dma_start3A_92 = arith.constant 0 : i32
      %dma_start3A_93 = tpu.memref_slice %arg12[%dma_start3A_91, %dma_start3A_92] : memref<128x128xf32, #tpu.memory_space<vmem>> -> memref<128x128xf32, #tpu.memory_space<vmem>>
      tpu.enqueue_dma source(%dma_start3A_93 : memref<128x128xf32, #tpu.memory_space<vmem>>) target(%dma_start3A_90 : memref<128x128xf32, #tpu.memory_space<hbm>>) target_semaphore(%arg23 : memref<!tpu.dma_semaphore, #tpu.memory_space<semaphore_mem>>)
      %add3A_94 = arith.constant 256 : i32
      %add3A_95 = arith.addi %mul3A_65, %add3A_94 : i32
      %sub3A = arith.constant 256 : i32
      %sub3A_96 = arith.subi %add3A_95, %sub3A : i32
      %dma_wait3A_97 = arith.constant 0 : i32
      %dma_wait3A_98 = arith.constant 0 : i32
      %dma_wait3A_99 = tpu.memref_slice %arg11[%dma_wait3A_97, %dma_wait3A_98] : memref<128x128xf32, #tpu.memory_space<vmem>> -> memref<128x128xf32, #tpu.memory_space<vmem>>
      %dma_wait3A_100 = arith.constant 0 : i32
      %dma_wait3A_101 = tpu.memref_slice %arg7[%sub3A_96, %dma_wait3A_100] : memref<10000x128xf32, #tpu.memory_space<hbm>> -> memref<128x128xf32, #tpu.memory_space<hbm>>
      %dma_wait3A_102 = arith.constant 0 : i32
      %dma_wait3A_103 = tpu.memref_slice %arg7[%sub3A_96, %dma_wait3A_102] : memref<10000x128xf32, #tpu.memory_space<hbm>> -> memref<128x128xf32, #tpu.memory_space<hbm>>
      %dma_wait3A_104 = arith.constant 0 : i32
      %dma_wait3A_105 = arith.constant 0 : i32
      %dma_wait3A_106 = tpu.memref_slice %arg11[%dma_wait3A_104, %dma_wait3A_105] : memref<128x128xf32, #tpu.memory_space<vmem>> -> memref<128x128xf32, #tpu.memory_space<vmem>>
      tpu.wait_dma2 semaphore(%arg22 : memref<!tpu.dma_semaphore, #tpu.memory_space<semaphore_mem>>) src(%dma_wait3A_106 : memref<128x128xf32, #tpu.memory_space<vmem>>) dst(%dma_wait3A_103 : memref<128x128xf32, #tpu.memory_space<hbm>>)
      %add3A_107 = arith.constant 256 : i32
      %add3A_108 = arith.addi %mul3A_65, %add3A_107 : i32
      "tpu.region"() ({
        %run_scoped3A = tpu.sem_alloc : memref<!tpu.dma_semaphore, #tpu.memory_space<semaphore_mem>>
        %dma_start3A_206 = arith.constant 0 : i32
        %dma_start3A_207 = arith.constant 0 : i32
        %dma_start3A_208 = tpu.memref_slice %arg11[%dma_start3A_206, %dma_start3A_207] : memref<128x128xf32, #tpu.memory_space<vmem>> -> memref<128x128xf32, #tpu.memory_space<vmem>>
        %dma_start3A_209 = arith.constant 0 : i32
        %dma_start3A_210 = tpu.memref_slice %arg10[%add3A_108, %dma_start3A_209] : memref<10112x128xf32, #tpu.memory_space<vmem_shared>> -> memref<128x128xf32, #tpu.memory_space<vmem_shared>>
        %dma_start3A_211 = arith.constant 0 : i32
        %dma_start3A_212 = arith.constant 0 : i32
        %dma_start3A_213 = tpu.memref_slice %arg11[%dma_start3A_211, %dma_start3A_212] : memref<128x128xf32, #tpu.memory_space<vmem>> -> memref<128x128xf32, #tpu.memory_space<vmem>>
        %dma_start3A_214 = arith.constant 0 : i32
        %dma_start3A_215 = tpu.memref_slice %arg10[%add3A_108, %dma_start3A_214] : memref<10112x128xf32, #tpu.memory_space<vmem_shared>> -> memref<128x128xf32, #tpu.memory_space<vmem_shared>>
        tpu.enqueue_dma source(%dma_start3A_215 : memref<128x128xf32, #tpu.memory_space<vmem_shared>>) target(%dma_start3A_213 : memref<128x128xf32, #tpu.memory_space<vmem>>) target_semaphore(%run_scoped3A : memref<!tpu.dma_semaphore, #tpu.memory_space<semaphore_mem>>)
        %dma_wait3A_216 = arith.constant 0 : i32
        %dma_wait3A_217 = arith.constant 0 : i32
        %dma_wait3A_218 = tpu.memref_slice %arg11[%dma_wait3A_216, %dma_wait3A_217] : memref<128x128xf32, #tpu.memory_space<vmem>> -> memref<128x128xf32, #tpu.memory_space<vmem>>
        %dma_wait3A_219 = arith.constant 0 : i32
        %dma_wait3A_220 = tpu.memref_slice %arg10[%add3A_108, %dma_wait3A_219] : memref<10112x128xf32, #tpu.memory_space<vmem_shared>> -> memref<128x128xf32, #tpu.memory_space<vmem_shared>>
        %dma_wait3A_221 = arith.constant 0 : i32
        %dma_wait3A_222 = arith.constant 0 : i32
        %dma_wait3A_223 = tpu.memref_slice %arg11[%dma_wait3A_221, %dma_wait3A_222] : memref<128x128xf32, #tpu.memory_space<vmem>> -> memref<128x128xf32, #tpu.memory_space<vmem>>
        %dma_wait3A_224 = arith.constant 0 : i32
        %dma_wait3A_225 = tpu.memref_slice %arg10[%add3A_108, %dma_wait3A_224] : memref<10112x128xf32, #tpu.memory_space<vmem_shared>> -> memref<128x128xf32, #tpu.memory_space<vmem_shared>>
        tpu.wait_dma2 semaphore(%run_scoped3A : memref<!tpu.dma_semaphore, #tpu.memory_space<semaphore_mem>>) src(%dma_wait3A_225 : memref<128x128xf32, #tpu.memory_space<vmem_shared>>) dst(%dma_wait3A_223 : memref<128x128xf32, #tpu.memory_space<vmem>>)
        tpu.yield
      }) : () -> ()
      %add3A_109 = arith.constant 256 : i32
      %add3A_110 = arith.addi %mul3A_65, %add3A_109 : i32
      %dma_start3A_111 = arith.constant 0 : i32
      %dma_start3A_112 = arith.constant 0 : i32
      %dma_start3A_113 = tpu.memref_slice %arg11[%dma_start3A_111, %dma_start3A_112] : memref<128x128xf32, #tpu.memory_space<vmem>> -> memref<128x128xf32, #tpu.memory_space<vmem>>
      %dma_start3A_114 = arith.constant 0 : i32
      %dma_start3A_115 = tpu.memref_slice %arg7[%add3A_110, %dma_start3A_114] : memref<10000x128xf32, #tpu.memory_space<hbm>> -> memref<128x128xf32, #tpu.memory_space<hbm>>
      %dma_start3A_116 = arith.constant 0 : i32
      %dma_start3A_117 = tpu.memref_slice %arg7[%add3A_110, %dma_start3A_116] : memref<10000x128xf32, #tpu.memory_space<hbm>> -> memref<128x128xf32, #tpu.memory_space<hbm>>
      %dma_start3A_118 = arith.constant 0 : i32
      %dma_start3A_119 = arith.constant 0 : i32
      %dma_start3A_120 = tpu.memref_slice %arg11[%dma_start3A_118, %dma_start3A_119] : memref<128x128xf32, #tpu.memory_space<vmem>> -> memref<128x128xf32, #tpu.memory_space<vmem>>
      tpu.enqueue_dma source(%dma_start3A_120 : memref<128x128xf32, #tpu.memory_space<vmem>>) target(%dma_start3A_117 : memref<128x128xf32, #tpu.memory_space<hbm>>) target_semaphore(%arg22 : memref<!tpu.dma_semaphore, #tpu.memory_space<semaphore_mem>>)
      %add3A_121 = arith.constant 384 : i32
      %add3A_122 = arith.addi %mul3A_65, %add3A_121 : i32
      %sub3A_123 = arith.constant 256 : i32
      %sub3A_124 = arith.subi %add3A_122, %sub3A_123 : i32
      %dma_wait3A_125 = arith.constant 0 : i32
      %dma_wait3A_126 = arith.constant 0 : i32
      %dma_wait3A_127 = tpu.memref_slice %arg12[%dma_wait3A_125, %dma_wait3A_126] : memref<128x128xf32, #tpu.memory_space<vmem>> -> memref<128x128xf32, #tpu.memory_space<vmem>>
      %dma_wait3A_128 = arith.constant 0 : i32
      %dma_wait3A_129 = tpu.memref_slice %arg7[%sub3A_124, %dma_wait3A_128] : memref<10000x128xf32, #tpu.memory_space<hbm>> -> memref<128x128xf32, #tpu.memory_space<hbm>>
      %dma_wait3A_130 = arith.constant 0 : i32
      %dma_wait3A_131 = tpu.memref_slice %arg7[%sub3A_124, %dma_wait3A_130] : memref<10000x128xf32, #tpu.memory_space<hbm>> -> memref<128x128xf32, #tpu.memory_space<hbm>>
      %dma_wait3A_132 = arith.constant 0 : i32
      %dma_wait3A_133 = arith.constant 0 : i32
      %dma_wait3A_134 = tpu.memref_slice %arg12[%dma_wait3A_132, %dma_wait3A_133] : memref<128x128xf32, #tpu.memory_space<vmem>> -> memref<128x128xf32, #tpu.memory_space<vmem>>
      tpu.wait_dma2 semaphore(%arg23 : memref<!tpu.dma_semaphore, #tpu.memory_space<semaphore_mem>>) src(%dma_wait3A_134 : memref<128x128xf32, #tpu.memory_space<vmem>>) dst(%dma_wait3A_131 : memref<128x128xf32, #tpu.memory_space<hbm>>)
      %add3A_135 = arith.constant 384 : i32
      %add3A_136 = arith.addi %mul3A_65, %add3A_135 : i32
      "tpu.region"() ({
        %run_scoped3A = tpu.sem_alloc : memref<!tpu.dma_semaphore, #tpu.memory_space<semaphore_mem>>
        %dma_start3A_206 = arith.constant 0 : i32
        %dma_start3A_207 = arith.constant 0 : i32
        %dma_start3A_208 = tpu.memref_slice %arg12[%dma_start3A_206, %dma_start3A_207] : memref<128x128xf32, #tpu.memory_space<vmem>> -> memref<128x128xf32, #tpu.memory_space<vmem>>
        %dma_start3A_209 = arith.constant 0 : i32
        %dma_start3A_210 = tpu.memref_slice %arg10[%add3A_136, %dma_start3A_209] : memref<10112x128xf32, #tpu.memory_space<vmem_shared>> -> memref<128x128xf32, #tpu.memory_space<vmem_shared>>
        %dma_start3A_211 = arith.constant 0 : i32
        %dma_start3A_212 = arith.constant 0 : i32
        %dma_start3A_213 = tpu.memref_slice %arg12[%dma_start3A_211, %dma_start3A_212] : memref<128x128xf32, #tpu.memory_space<vmem>> -> memref<128x128xf32, #tpu.memory_space<vmem>>
        %dma_start3A_214 = arith.constant 0 : i32
        %dma_start3A_215 = tpu.memref_slice %arg10[%add3A_136, %dma_start3A_214] : memref<10112x128xf32, #tpu.memory_space<vmem_shared>> -> memref<128x128xf32, #tpu.memory_space<vmem_shared>>
        tpu.enqueue_dma source(%dma_start3A_215 : memref<128x128xf32, #tpu.memory_space<vmem_shared>>) target(%dma_start3A_213 : memref<128x128xf32, #tpu.memory_space<vmem>>) target_semaphore(%run_scoped3A : memref<!tpu.dma_semaphore, #tpu.memory_space<semaphore_mem>>)
        %dma_wait3A_216 = arith.constant 0 : i32
        %dma_wait3A_217 = arith.constant 0 : i32
        %dma_wait3A_218 = tpu.memref_slice %arg12[%dma_wait3A_216, %dma_wait3A_217] : memref<128x128xf32, #tpu.memory_space<vmem>> -> memref<128x128xf32, #tpu.memory_space<vmem>>
        %dma_wait3A_219 = arith.constant 0 : i32
        %dma_wait3A_220 = tpu.memref_slice %arg10[%add3A_136, %dma_wait3A_219] : memref<10112x128xf32, #tpu.memory_space<vmem_shared>> -> memref<128x128xf32, #tpu.memory_space<vmem_shared>>
        %dma_wait3A_221 = arith.constant 0 : i32
        %dma_wait3A_222 = arith.constant 0 : i32
        %dma_wait3A_223 = tpu.memref_slice %arg12[%dma_wait3A_221, %dma_wait3A_222] : memref<128x128xf32, #tpu.memory_space<vmem>> -> memref<128x128xf32, #tpu.memory_space<vmem>>
        %dma_wait3A_224 = arith.constant 0 : i32
        %dma_wait3A_225 = tpu.memref_slice %arg10[%add3A_136, %dma_wait3A_224] : memref<10112x128xf32, #tpu.memory_space<vmem_shared>> -> memref<128x128xf32, #tpu.memory_space<vmem_shared>>
        tpu.wait_dma2 semaphore(%run_scoped3A : memref<!tpu.dma_semaphore, #tpu.memory_space<semaphore_mem>>) src(%dma_wait3A_225 : memref<128x128xf32, #tpu.memory_space<vmem_shared>>) dst(%dma_wait3A_223 : memref<128x128xf32, #tpu.memory_space<vmem>>)
        tpu.yield
      }) : () -> ()
      %add3A_137 = arith.constant 384 : i32
      %add3A_138 = arith.addi %mul3A_65, %add3A_137 : i32
      %dma_start3A_139 = arith.constant 0 : i32
      %dma_start3A_140 = arith.constant 0 : i32
      %dma_start3A_141 = tpu.memref_slice %arg12[%dma_start3A_139, %dma_start3A_140] : memref<128x128xf32, #tpu.memory_space<vmem>> -> memref<128x128xf32, #tpu.memory_space<vmem>>
      %dma_start3A_142 = arith.constant 0 : i32
      %dma_start3A_143 = tpu.memref_slice %arg7[%add3A_138, %dma_start3A_142] : memref<10000x128xf32, #tpu.memory_space<hbm>> -> memref<128x128xf32, #tpu.memory_space<hbm>>
      %dma_start3A_144 = arith.constant 0 : i32
      %dma_start3A_145 = tpu.memref_slice %arg7[%add3A_138, %dma_start3A_144] : memref<10000x128xf32, #tpu.memory_space<hbm>> -> memref<128x128xf32, #tpu.memory_space<hbm>>
      %dma_start3A_146 = arith.constant 0 : i32
      %dma_start3A_147 = arith.constant 0 : i32
      %dma_start3A_148 = tpu.memref_slice %arg12[%dma_start3A_146, %dma_start3A_147] : memref<128x128xf32, #tpu.memory_space<vmem>> -> memref<128x128xf32, #tpu.memory_space<vmem>>
      tpu.enqueue_dma source(%dma_start3A_148 : memref<128x128xf32, #tpu.memory_space<vmem>>) target(%dma_start3A_145 : memref<128x128xf32, #tpu.memory_space<hbm>>) target_semaphore(%arg23 : memref<!tpu.dma_semaphore, #tpu.memory_space<semaphore_mem>>)
      %add3A_149 = arith.constant 512 : i32
      %add3A_150 = arith.addi %mul3A_65, %add3A_149 : i32
      %sub3A_151 = arith.constant 256 : i32
      %sub3A_152 = arith.subi %add3A_150, %sub3A_151 : i32
      %dma_wait3A_153 = arith.constant 0 : i32
      %dma_wait3A_154 = arith.constant 0 : i32
      %dma_wait3A_155 = tpu.memref_slice %arg11[%dma_wait3A_153, %dma_wait3A_154] : memref<128x128xf32, #tpu.memory_space<vmem>> -> memref<128x128xf32, #tpu.memory_space<vmem>>
      %dma_wait3A_156 = arith.constant 0 : i32
      %dma_wait3A_157 = tpu.memref_slice %arg7[%sub3A_152, %dma_wait3A_156] : memref<10000x128xf32, #tpu.memory_space<hbm>> -> memref<128x128xf32, #tpu.memory_space<hbm>>
      %dma_wait3A_158 = arith.constant 0 : i32
      %dma_wait3A_159 = tpu.memref_slice %arg7[%sub3A_152, %dma_wait3A_158] : memref<10000x128xf32, #tpu.memory_space<hbm>> -> memref<128x128xf32, #tpu.memory_space<hbm>>
      %dma_wait3A_160 = arith.constant 0 : i32
      %dma_wait3A_161 = arith.constant 0 : i32
      %dma_wait3A_162 = tpu.memref_slice %arg11[%dma_wait3A_160, %dma_wait3A_161] : memref<128x128xf32, #tpu.memory_space<vmem>> -> memref<128x128xf32, #tpu.memory_space<vmem>>
      tpu.wait_dma2 semaphore(%arg22 : memref<!tpu.dma_semaphore, #tpu.memory_space<semaphore_mem>>) src(%dma_wait3A_162 : memref<128x128xf32, #tpu.memory_space<vmem>>) dst(%dma_wait3A_159 : memref<128x128xf32, #tpu.memory_space<hbm>>)
      %add3A_163 = arith.constant 512 : i32
      %add3A_164 = arith.addi %mul3A_65, %add3A_163 : i32
      "tpu.region"() ({
        %run_scoped3A = tpu.sem_alloc : memref<!tpu.dma_semaphore, #tpu.memory_space<semaphore_mem>>
        %dma_start3A_206 = arith.constant 0 : i32
        %dma_start3A_207 = arith.constant 0 : i32
        %dma_start3A_208 = tpu.memref_slice %arg11[%dma_start3A_206, %dma_start3A_207] : memref<128x128xf32, #tpu.memory_space<vmem>> -> memref<112x128xf32, #tpu.memory_space<vmem>>
        %dma_start3A_209 = arith.constant 0 : i32
        %dma_start3A_210 = tpu.memref_slice %arg10[%add3A_164, %dma_start3A_209] : memref<10112x128xf32, #tpu.memory_space<vmem_shared>> -> memref<112x128xf32, #tpu.memory_space<vmem_shared>>
        %dma_start3A_211 = arith.constant 0 : i32
        %dma_start3A_212 = arith.constant 0 : i32
        %dma_start3A_213 = tpu.memref_slice %arg11[%dma_start3A_211, %dma_start3A_212] : memref<128x128xf32, #tpu.memory_space<vmem>> -> memref<112x128xf32, #tpu.memory_space<vmem>>
        %dma_start3A_214 = arith.constant 0 : i32
        %dma_start3A_215 = tpu.memref_slice %arg10[%add3A_164, %dma_start3A_214] : memref<10112x128xf32, #tpu.memory_space<vmem_shared>> -> memref<112x128xf32, #tpu.memory_space<vmem_shared>>
        tpu.enqueue_dma source(%dma_start3A_215 : memref<112x128xf32, #tpu.memory_space<vmem_shared>>) target(%dma_start3A_213 : memref<112x128xf32, #tpu.memory_space<vmem>>) target_semaphore(%run_scoped3A : memref<!tpu.dma_semaphore, #tpu.memory_space<semaphore_mem>>)
        %dma_wait3A_216 = arith.constant 0 : i32
        %dma_wait3A_217 = arith.constant 0 : i32
        %dma_wait3A_218 = tpu.memref_slice %arg11[%dma_wait3A_216, %dma_wait3A_217] : memref<128x128xf32, #tpu.memory_space<vmem>> -> memref<112x128xf32, #tpu.memory_space<vmem>>
        %dma_wait3A_219 = arith.constant 0 : i32
        %dma_wait3A_220 = tpu.memref_slice %arg10[%add3A_164, %dma_wait3A_219] : memref<10112x128xf32, #tpu.memory_space<vmem_shared>> -> memref<112x128xf32, #tpu.memory_space<vmem_shared>>
        %dma_wait3A_221 = arith.constant 0 : i32
        %dma_wait3A_222 = arith.constant 0 : i32
        %dma_wait3A_223 = tpu.memref_slice %arg11[%dma_wait3A_221, %dma_wait3A_222] : memref<128x128xf32, #tpu.memory_space<vmem>> -> memref<112x128xf32, #tpu.memory_space<vmem>>
        %dma_wait3A_224 = arith.constant 0 : i32
        %dma_wait3A_225 = tpu.memref_slice %arg10[%add3A_164, %dma_wait3A_224] : memref<10112x128xf32, #tpu.memory_space<vmem_shared>> -> memref<112x128xf32, #tpu.memory_space<vmem_shared>>
        tpu.wait_dma2 semaphore(%run_scoped3A : memref<!tpu.dma_semaphore, #tpu.memory_space<semaphore_mem>>) src(%dma_wait3A_225 : memref<112x128xf32, #tpu.memory_space<vmem_shared>>) dst(%dma_wait3A_223 : memref<112x128xf32, #tpu.memory_space<vmem>>)
        tpu.yield
      }) : () -> ()
      %add3A_165 = arith.constant 512 : i32
      %add3A_166 = arith.addi %mul3A_65, %add3A_165 : i32
      %dma_start3A_167 = arith.constant 0 : i32
      %dma_start3A_168 = arith.constant 0 : i32
      %dma_start3A_169 = tpu.memref_slice %arg11[%dma_start3A_167, %dma_start3A_168] : memref<128x128xf32, #tpu.memory_space<vmem>> -> memref<112x128xf32, #tpu.memory_space<vmem>>
      %dma_start3A_170 = arith.constant 0 : i32
      %dma_start3A_171 = tpu.memref_slice %arg7[%add3A_166, %dma_start3A_170] : memref<10000x128xf32, #tpu.memory_space<hbm>> -> memref<112x128xf32, #tpu.memory_space<hbm>>
      %dma_start3A_172 = arith.constant 0 : i32
      %dma_start3A_173 = tpu.memref_slice %arg7[%add3A_166, %dma_start3A_172] : memref<10000x128xf32, #tpu.memory_space<hbm>> -> memref<112x128xf32, #tpu.memory_space<hbm>>
      %dma_start3A_174 = arith.constant 0 : i32
      %dma_start3A_175 = arith.constant 0 : i32
      %dma_start3A_176 = tpu.memref_slice %arg11[%dma_start3A_174, %dma_start3A_175] : memref<128x128xf32, #tpu.memory_space<vmem>> -> memref<112x128xf32, #tpu.memory_space<vmem>>
      tpu.enqueue_dma source(%dma_start3A_176 : memref<112x128xf32, #tpu.memory_space<vmem>>) target(%dma_start3A_173 : memref<112x128xf32, #tpu.memory_space<hbm>>) target_semaphore(%arg22 : memref<!tpu.dma_semaphore, #tpu.memory_space<semaphore_mem>>)
      %add3A_177 = arith.constant 512 : i32
      %add3A_178 = arith.addi %mul3A_65, %add3A_177 : i32
      %dma_wait3A_179 = arith.constant 0 : i32
      %dma_wait3A_180 = arith.constant 0 : i32
      %dma_wait3A_181 = tpu.memref_slice %arg11[%dma_wait3A_179, %dma_wait3A_180] : memref<128x128xf32, #tpu.memory_space<vmem>> -> memref<112x128xf32, #tpu.memory_space<vmem>>
      %dma_wait3A_182 = arith.constant 0 : i32
      %dma_wait3A_183 = tpu.memref_slice %arg7[%add3A_178, %dma_wait3A_182] : memref<10000x128xf32, #tpu.memory_space<hbm>> -> memref<112x128xf32, #tpu.memory_space<hbm>>
      %dma_wait3A_184 = arith.constant 0 : i32
      %dma_wait3A_185 = tpu.memref_slice %arg7[%add3A_178, %dma_wait3A_184] : memref<10000x128xf32, #tpu.memory_space<hbm>> -> memref<112x128xf32, #tpu.memory_space<hbm>>
      %dma_wait3A_186 = arith.constant 0 : i32
      %dma_wait3A_187 = arith.constant 0 : i32
      %dma_wait3A_188 = tpu.memref_slice %arg11[%dma_wait3A_186, %dma_wait3A_187] : memref<128x128xf32, #tpu.memory_space<vmem>> -> memref<112x128xf32, #tpu.memory_space<vmem>>
      tpu.wait_dma2 semaphore(%arg22 : memref<!tpu.dma_semaphore, #tpu.memory_space<semaphore_mem>>) src(%dma_wait3A_188 : memref<112x128xf32, #tpu.memory_space<vmem>>) dst(%dma_wait3A_185 : memref<112x128xf32, #tpu.memory_space<hbm>>)
      %add3A_189 = arith.constant 384 : i32
      %add3A_190 = arith.addi %mul3A_65, %add3A_189 : i32
      %dma_wait3A_191 = arith.constant 0 : i32
      %dma_wait3A_192 = arith.constant 0 : i32
      %dma_wait3A_193 = tpu.memref_slice %arg12[%dma_wait3A_191, %dma_wait3A_192] : memref<128x128xf32, #tpu.memory_space<vmem>> -> memref<128x128xf32, #tpu.memory_space<vmem>>
      %dma_wait3A_194 = arith.constant 0 : i32
      %dma_wait3A_195 = tpu.memref_slice %arg7[%add3A_190, %dma_wait3A_194] : memref<10000x128xf32, #tpu.memory_space<hbm>> -> memref<128x128xf32, #tpu.memory_space<hbm>>
      %dma_wait3A_196 = arith.constant 0 : i32
      %dma_wait3A_197 = tpu.memref_slice %arg7[%add3A_190, %dma_wait3A_196] : memref<10000x128xf32, #tpu.memory_space<hbm>> -> memref<128x128xf32, #tpu.memory_space<hbm>>
      %dma_wait3A_198 = arith.constant 0 : i32
      %dma_wait3A_199 = arith.constant 0 : i32
      %dma_wait3A_200 = tpu.memref_slice %arg12[%dma_wait3A_198, %dma_wait3A_199] : memref<128x128xf32, #tpu.memory_space<vmem>> -> memref<128x128xf32, #tpu.memory_space<vmem>>
      tpu.wait_dma2 semaphore(%arg23 : memref<!tpu.dma_semaphore, #tpu.memory_space<semaphore_mem>>) src(%dma_wait3A_200 : memref<128x128xf32, #tpu.memory_space<vmem>>) dst(%dma_wait3A_197 : memref<128x128xf32, #tpu.memory_space<hbm>>)
      %eq3A_201 = arith.constant 15 : i32
      %eq3A_202 = arith.cmpi eq, %arg1, %eq3A_201 : i32
      %convert_element_type3A_203 = arith.extui %eq3A_202 : i1 to i32
      %cond3A_204 = arith.constant 0 : i32
      %cond3A_205 = arith.cmpi ne, %convert_element_type3A_203, %cond3A_204 : i32
      scf.if %cond3A_205 {
        "tpu.region"() ({
          %run_scoped3A = tpu.sem_alloc : memref<!tpu.dma_semaphore, #tpu.memory_space<semaphore_mem>>
          %dma_start3A_230 = arith.constant 0 : i32
          %dma_start3A_231 = arith.constant 0 : i32
          %dma_start3A_232 = tpu.memref_slice %arg11[%dma_start3A_230, %dma_start3A_231] : memref<128x128xf32, #tpu.memory_space<vmem>> -> memref<16x128xf32, #tpu.memory_space<vmem>>
          %dma_start3A_233 = arith.constant 9984 : i32
          %dma_start3A_234 = arith.constant 0 : i32
          %dma_start3A_235 = tpu.memref_slice %arg10[%dma_start3A_233, %dma_start3A_234] : memref<10112x128xf32, #tpu.memory_space<vmem_shared>> -> memref<16x128xf32, #tpu.memory_space<vmem_shared>>
          %dma_start3A_236 = arith.constant 0 : i32
          %dma_start3A_237 = arith.constant 0 : i32
          %dma_start3A_238 = tpu.memref_slice %arg11[%dma_start3A_236, %dma_start3A_237] : memref<128x128xf32, #tpu.memory_space<vmem>> -> memref<16x128xf32, #tpu.memory_space<vmem>>
          %dma_start3A_239 = arith.constant 9984 : i32
          %dma_start3A_240 = arith.constant 0 : i32
          %dma_start3A_241 = tpu.memref_slice %arg10[%dma_start3A_239, %dma_start3A_240] : memref<10112x128xf32, #tpu.memory_space<vmem_shared>> -> memref<16x128xf32, #tpu.memory_space<vmem_shared>>
          tpu.enqueue_dma source(%dma_start3A_241 : memref<16x128xf32, #tpu.memory_space<vmem_shared>>) target(%dma_start3A_238 : memref<16x128xf32, #tpu.memory_space<vmem>>) target_semaphore(%run_scoped3A : memref<!tpu.dma_semaphore, #tpu.memory_space<semaphore_mem>>)
          %dma_wait3A_242 = arith.constant 0 : i32
          %dma_wait3A_243 = arith.constant 0 : i32
          %dma_wait3A_244 = tpu.memref_slice %arg11[%dma_wait3A_242, %dma_wait3A_243] : memref<128x128xf32, #tpu.memory_space<vmem>> -> memref<16x128xf32, #tpu.memory_space<vmem>>
          %dma_wait3A_245 = arith.constant 9984 : i32
          %dma_wait3A_246 = arith.constant 0 : i32
          %dma_wait3A_247 = tpu.memref_slice %arg10[%dma_wait3A_245, %dma_wait3A_246] : memref<10112x128xf32, #tpu.memory_space<vmem_shared>> -> memref<16x128xf32, #tpu.memory_space<vmem_shared>>
          %dma_wait3A_248 = arith.constant 0 : i32
          %dma_wait3A_249 = arith.constant 0 : i32
          %dma_wait3A_250 = tpu.memref_slice %arg11[%dma_wait3A_248, %dma_wait3A_249] : memref<128x128xf32, #tpu.memory_space<vmem>> -> memref<16x128xf32, #tpu.memory_space<vmem>>
          %dma_wait3A_251 = arith.constant 9984 : i32
          %dma_wait3A_252 = arith.constant 0 : i32
          %dma_wait3A_253 = tpu.memref_slice %arg10[%dma_wait3A_251, %dma_wait3A_252] : memref<10112x128xf32, #tpu.memory_space<vmem_shared>> -> memref<16x128xf32, #tpu.memory_space<vmem_shared>>
          tpu.wait_dma2 semaphore(%run_scoped3A : memref<!tpu.dma_semaphore, #tpu.memory_space<semaphore_mem>>) src(%dma_wait3A_253 : memref<16x128xf32, #tpu.memory_space<vmem_shared>>) dst(%dma_wait3A_250 : memref<16x128xf32, #tpu.memory_space<vmem>>)
          tpu.yield
        }) : () -> ()
        %dma_start3A_206 = arith.constant 0 : i32
        %dma_start3A_207 = arith.constant 0 : i32
        %dma_start3A_208 = tpu.memref_slice %arg11[%dma_start3A_206, %dma_start3A_207] : memref<128x128xf32, #tpu.memory_space<vmem>> -> memref<16x128xf32, #tpu.memory_space<vmem>>
        %dma_start3A_209 = arith.constant 9984 : i32
        %dma_start3A_210 = arith.constant 0 : i32
        %dma_start3A_211 = tpu.memref_slice %arg7[%dma_start3A_209, %dma_start3A_210] : memref<10000x128xf32, #tpu.memory_space<hbm>> -> memref<16x128xf32, #tpu.memory_space<hbm>>
        %dma_start3A_212 = arith.constant 9984 : i32
        %dma_start3A_213 = arith.constant 0 : i32
        %dma_start3A_214 = tpu.memref_slice %arg7[%dma_start3A_212, %dma_start3A_213] : memref<10000x128xf32, #tpu.memory_space<hbm>> -> memref<16x128xf32, #tpu.memory_space<hbm>>
        %dma_start3A_215 = arith.constant 0 : i32
        %dma_start3A_216 = arith.constant 0 : i32
        %dma_start3A_217 = tpu.memref_slice %arg11[%dma_start3A_215, %dma_start3A_216] : memref<128x128xf32, #tpu.memory_space<vmem>> -> memref<16x128xf32, #tpu.memory_space<vmem>>
        tpu.enqueue_dma source(%dma_start3A_217 : memref<16x128xf32, #tpu.memory_space<vmem>>) target(%dma_start3A_214 : memref<16x128xf32, #tpu.memory_space<hbm>>) target_semaphore(%arg22 : memref<!tpu.dma_semaphore, #tpu.memory_space<semaphore_mem>>)
        %dma_wait3A_218 = arith.constant 0 : i32
        %dma_wait3A_219 = arith.constant 0 : i32
        %dma_wait3A_220 = tpu.memref_slice %arg11[%dma_wait3A_218, %dma_wait3A_219] : memref<128x128xf32, #tpu.memory_space<vmem>> -> memref<16x128xf32, #tpu.memory_space<vmem>>
        %dma_wait3A_221 = arith.constant 9984 : i32
        %dma_wait3A_222 = arith.constant 0 : i32
        %dma_wait3A_223 = tpu.memref_slice %arg7[%dma_wait3A_221, %dma_wait3A_222] : memref<10000x128xf32, #tpu.memory_space<hbm>> -> memref<16x128xf32, #tpu.memory_space<hbm>>
        %dma_wait3A_224 = arith.constant 9984 : i32
        %dma_wait3A_225 = arith.constant 0 : i32
        %dma_wait3A_226 = tpu.memref_slice %arg7[%dma_wait3A_224, %dma_wait3A_225] : memref<10000x128xf32, #tpu.memory_space<hbm>> -> memref<16x128xf32, #tpu.memory_space<hbm>>
        %dma_wait3A_227 = arith.constant 0 : i32
        %dma_wait3A_228 = arith.constant 0 : i32
        %dma_wait3A_229 = tpu.memref_slice %arg11[%dma_wait3A_227, %dma_wait3A_228] : memref<128x128xf32, #tpu.memory_space<vmem>> -> memref<16x128xf32, #tpu.memory_space<vmem>>
        tpu.wait_dma2 semaphore(%arg22 : memref<!tpu.dma_semaphore, #tpu.memory_space<semaphore_mem>>) src(%dma_wait3A_229 : memref<16x128xf32, #tpu.memory_space<vmem>>) dst(%dma_wait3A_226 : memref<16x128xf32, #tpu.memory_space<hbm>>)
      } else {
      }
    } else {
    }
    %eq3A_59 = arith.constant 1 : i32
    %eq3A_60 = arith.cmpi eq, %arg0, %eq3A_59 : i32
    %convert_element_type3A_61 = arith.extui %eq3A_60 : i1 to i32
    %cond3A_62 = arith.constant 0 : i32
    %cond3A_63 = arith.cmpi ne, %convert_element_type3A_61, %cond3A_62 : i32
    scf.if %cond3A_63 {
      %mul3A_64 = arith.constant 624 : i32
      %mul3A_65 = arith.muli %arg1, %mul3A_64 : i32
      %add3A_66 = arith.constant 0 : i32
      %add3A_67 = arith.addi %mul3A_65, %add3A_66 : i32
      "tpu.region"() ({
        %run_scoped3A = tpu.sem_alloc : memref<!tpu.dma_semaphore, #tpu.memory_space<semaphore_mem>>
        %dma_start3A_206 = arith.constant 0 : i32
        %dma_start3A_207 = arith.constant 0 : i32
        %dma_start3A_208 = tpu.memref_slice %arg11[%dma_start3A_206, %dma_start3A_207] : memref<128x128xf32, #tpu.memory_space<vmem>> -> memref<128x128xf32, #tpu.memory_space<vmem>>
        %dma_start3A_209 = arith.constant 0 : i32
        %dma_start3A_210 = tpu.memref_slice %arg10[%add3A_67, %dma_start3A_209] : memref<10112x128xf32, #tpu.memory_space<vmem_shared>> -> memref<128x128xf32, #tpu.memory_space<vmem_shared>>
        %dma_start3A_211 = arith.constant 0 : i32
        %dma_start3A_212 = arith.constant 0 : i32
        %dma_start3A_213 = tpu.memref_slice %arg11[%dma_start3A_211, %dma_start3A_212] : memref<128x128xf32, #tpu.memory_space<vmem>> -> memref<128x128xf32, #tpu.memory_space<vmem>>
        %dma_start3A_214 = arith.constant 0 : i32
        %dma_start3A_215 = tpu.memref_slice %arg10[%add3A_67, %dma_start3A_214] : memref<10112x128xf32, #tpu.memory_space<vmem_shared>> -> memref<128x128xf32, #tpu.memory_space<vmem_shared>>
        tpu.enqueue_dma source(%dma_start3A_215 : memref<128x128xf32, #tpu.memory_space<vmem_shared>>) target(%dma_start3A_213 : memref<128x128xf32, #tpu.memory_space<vmem>>) target_semaphore(%run_scoped3A : memref<!tpu.dma_semaphore, #tpu.memory_space<semaphore_mem>>)
        %dma_wait3A_216 = arith.constant 0 : i32
        %dma_wait3A_217 = arith.constant 0 : i32
        %dma_wait3A_218 = tpu.memref_slice %arg11[%dma_wait3A_216, %dma_wait3A_217] : memref<128x128xf32, #tpu.memory_space<vmem>> -> memref<128x128xf32, #tpu.memory_space<vmem>>
        %dma_wait3A_219 = arith.constant 0 : i32
        %dma_wait3A_220 = tpu.memref_slice %arg10[%add3A_67, %dma_wait3A_219] : memref<10112x128xf32, #tpu.memory_space<vmem_shared>> -> memref<128x128xf32, #tpu.memory_space<vmem_shared>>
        %dma_wait3A_221 = arith.constant 0 : i32
        %dma_wait3A_222 = arith.constant 0 : i32
        %dma_wait3A_223 = tpu.memref_slice %arg11[%dma_wait3A_221, %dma_wait3A_222] : memref<128x128xf32, #tpu.memory_space<vmem>> -> memref<128x128xf32, #tpu.memory_space<vmem>>
        %dma_wait3A_224 = arith.constant 0 : i32
        %dma_wait3A_225 = tpu.memref_slice %arg10[%add3A_67, %dma_wait3A_224] : memref<10112x128xf32, #tpu.memory_space<vmem_shared>> -> memref<128x128xf32, #tpu.memory_space<vmem_shared>>
        tpu.wait_dma2 semaphore(%run_scoped3A : memref<!tpu.dma_semaphore, #tpu.memory_space<semaphore_mem>>) src(%dma_wait3A_225 : memref<128x128xf32, #tpu.memory_space<vmem_shared>>) dst(%dma_wait3A_223 : memref<128x128xf32, #tpu.memory_space<vmem>>)
        tpu.yield
      }) : () -> ()
      %add3A_68 = arith.constant 0 : i32
      %add3A_69 = arith.addi %mul3A_65, %add3A_68 : i32
      %dma_start3A_70 = arith.constant 0 : i32
      %dma_start3A_71 = arith.constant 0 : i32
      %dma_start3A_72 = tpu.memref_slice %arg11[%dma_start3A_70, %dma_start3A_71] : memref<128x128xf32, #tpu.memory_space<vmem>> -> memref<128x128xf32, #tpu.memory_space<vmem>>
      %dma_start3A_73 = arith.constant 0 : i32
      %dma_start3A_74 = tpu.memref_slice %arg8[%add3A_69, %dma_start3A_73] : memref<10000x128xf32, #tpu.memory_space<hbm>> -> memref<128x128xf32, #tpu.memory_space<hbm>>
      %dma_start3A_75 = arith.constant 0 : i32
      %dma_start3A_76 = tpu.memref_slice %arg8[%add3A_69, %dma_start3A_75] : memref<10000x128xf32, #tpu.memory_space<hbm>> -> memref<128x128xf32, #tpu.memory_space<hbm>>
      %dma_start3A_77 = arith.constant 0 : i32
      %dma_start3A_78 = arith.constant 0 : i32
      %dma_start3A_79 = tpu.memref_slice %arg11[%dma_start3A_77, %dma_start3A_78] : memref<128x128xf32, #tpu.memory_space<vmem>> -> memref<128x128xf32, #tpu.memory_space<vmem>>
      tpu.enqueue_dma source(%dma_start3A_79 : memref<128x128xf32, #tpu.memory_space<vmem>>) target(%dma_start3A_76 : memref<128x128xf32, #tpu.memory_space<hbm>>) target_semaphore(%arg22 : memref<!tpu.dma_semaphore, #tpu.memory_space<semaphore_mem>>)
      %add3A_80 = arith.constant 128 : i32
      %add3A_81 = arith.addi %mul3A_65, %add3A_80 : i32
      "tpu.region"() ({
        %run_scoped3A = tpu.sem_alloc : memref<!tpu.dma_semaphore, #tpu.memory_space<semaphore_mem>>
        %dma_start3A_206 = arith.constant 0 : i32
        %dma_start3A_207 = arith.constant 0 : i32
        %dma_start3A_208 = tpu.memref_slice %arg12[%dma_start3A_206, %dma_start3A_207] : memref<128x128xf32, #tpu.memory_space<vmem>> -> memref<128x128xf32, #tpu.memory_space<vmem>>
        %dma_start3A_209 = arith.constant 0 : i32
        %dma_start3A_210 = tpu.memref_slice %arg10[%add3A_81, %dma_start3A_209] : memref<10112x128xf32, #tpu.memory_space<vmem_shared>> -> memref<128x128xf32, #tpu.memory_space<vmem_shared>>
        %dma_start3A_211 = arith.constant 0 : i32
        %dma_start3A_212 = arith.constant 0 : i32
        %dma_start3A_213 = tpu.memref_slice %arg12[%dma_start3A_211, %dma_start3A_212] : memref<128x128xf32, #tpu.memory_space<vmem>> -> memref<128x128xf32, #tpu.memory_space<vmem>>
        %dma_start3A_214 = arith.constant 0 : i32
        %dma_start3A_215 = tpu.memref_slice %arg10[%add3A_81, %dma_start3A_214] : memref<10112x128xf32, #tpu.memory_space<vmem_shared>> -> memref<128x128xf32, #tpu.memory_space<vmem_shared>>
        tpu.enqueue_dma source(%dma_start3A_215 : memref<128x128xf32, #tpu.memory_space<vmem_shared>>) target(%dma_start3A_213 : memref<128x128xf32, #tpu.memory_space<vmem>>) target_semaphore(%run_scoped3A : memref<!tpu.dma_semaphore, #tpu.memory_space<semaphore_mem>>)
        %dma_wait3A_216 = arith.constant 0 : i32
        %dma_wait3A_217 = arith.constant 0 : i32
        %dma_wait3A_218 = tpu.memref_slice %arg12[%dma_wait3A_216, %dma_wait3A_217] : memref<128x128xf32, #tpu.memory_space<vmem>> -> memref<128x128xf32, #tpu.memory_space<vmem>>
        %dma_wait3A_219 = arith.constant 0 : i32
        %dma_wait3A_220 = tpu.memref_slice %arg10[%add3A_81, %dma_wait3A_219] : memref<10112x128xf32, #tpu.memory_space<vmem_shared>> -> memref<128x128xf32, #tpu.memory_space<vmem_shared>>
        %dma_wait3A_221 = arith.constant 0 : i32
        %dma_wait3A_222 = arith.constant 0 : i32
        %dma_wait3A_223 = tpu.memref_slice %arg12[%dma_wait3A_221, %dma_wait3A_222] : memref<128x128xf32, #tpu.memory_space<vmem>> -> memref<128x128xf32, #tpu.memory_space<vmem>>
        %dma_wait3A_224 = arith.constant 0 : i32
        %dma_wait3A_225 = tpu.memref_slice %arg10[%add3A_81, %dma_wait3A_224] : memref<10112x128xf32, #tpu.memory_space<vmem_shared>> -> memref<128x128xf32, #tpu.memory_space<vmem_shared>>
        tpu.wait_dma2 semaphore(%run_scoped3A : memref<!tpu.dma_semaphore, #tpu.memory_space<semaphore_mem>>) src(%dma_wait3A_225 : memref<128x128xf32, #tpu.memory_space<vmem_shared>>) dst(%dma_wait3A_223 : memref<128x128xf32, #tpu.memory_space<vmem>>)
        tpu.yield
      }) : () -> ()
      %add3A_82 = arith.constant 128 : i32
      %add3A_83 = arith.addi %mul3A_65, %add3A_82 : i32
      %dma_start3A_84 = arith.constant 0 : i32
      %dma_start3A_85 = arith.constant 0 : i32
      %dma_start3A_86 = tpu.memref_slice %arg12[%dma_start3A_84, %dma_start3A_85] : memref<128x128xf32, #tpu.memory_space<vmem>> -> memref<128x128xf32, #tpu.memory_space<vmem>>
      %dma_start3A_87 = arith.constant 0 : i32
      %dma_start3A_88 = tpu.memref_slice %arg8[%add3A_83, %dma_start3A_87] : memref<10000x128xf32, #tpu.memory_space<hbm>> -> memref<128x128xf32, #tpu.memory_space<hbm>>
      %dma_start3A_89 = arith.constant 0 : i32
      %dma_start3A_90 = tpu.memref_slice %arg8[%add3A_83, %dma_start3A_89] : memref<10000x128xf32, #tpu.memory_space<hbm>> -> memref<128x128xf32, #tpu.memory_space<hbm>>
      %dma_start3A_91 = arith.constant 0 : i32
      %dma_start3A_92 = arith.constant 0 : i32
      %dma_start3A_93 = tpu.memref_slice %arg12[%dma_start3A_91, %dma_start3A_92] : memref<128x128xf32, #tpu.memory_space<vmem>> -> memref<128x128xf32, #tpu.memory_space<vmem>>
      tpu.enqueue_dma source(%dma_start3A_93 : memref<128x128xf32, #tpu.memory_space<vmem>>) target(%dma_start3A_90 : memref<128x128xf32, #tpu.memory_space<hbm>>) target_semaphore(%arg23 : memref<!tpu.dma_semaphore, #tpu.memory_space<semaphore_mem>>)
      %add3A_94 = arith.constant 256 : i32
      %add3A_95 = arith.addi %mul3A_65, %add3A_94 : i32
      %sub3A = arith.constant 256 : i32
      %sub3A_96 = arith.subi %add3A_95, %sub3A : i32
      %dma_wait3A_97 = arith.constant 0 : i32
      %dma_wait3A_98 = arith.constant 0 : i32
      %dma_wait3A_99 = tpu.memref_slice %arg11[%dma_wait3A_97, %dma_wait3A_98] : memref<128x128xf32, #tpu.memory_space<vmem>> -> memref<128x128xf32, #tpu.memory_space<vmem>>
      %dma_wait3A_100 = arith.constant 0 : i32
      %dma_wait3A_101 = tpu.memref_slice %arg8[%sub3A_96, %dma_wait3A_100] : memref<10000x128xf32, #tpu.memory_space<hbm>> -> memref<128x128xf32, #tpu.memory_space<hbm>>
      %dma_wait3A_102 = arith.constant 0 : i32
      %dma_wait3A_103 = tpu.memref_slice %arg8[%sub3A_96, %dma_wait3A_102] : memref<10000x128xf32, #tpu.memory_space<hbm>> -> memref<128x128xf32, #tpu.memory_space<hbm>>
      %dma_wait3A_104 = arith.constant 0 : i32
      %dma_wait3A_105 = arith.constant 0 : i32
      %dma_wait3A_106 = tpu.memref_slice %arg11[%dma_wait3A_104, %dma_wait3A_105] : memref<128x128xf32, #tpu.memory_space<vmem>> -> memref<128x128xf32, #tpu.memory_space<vmem>>
      tpu.wait_dma2 semaphore(%arg22 : memref<!tpu.dma_semaphore, #tpu.memory_space<semaphore_mem>>) src(%dma_wait3A_106 : memref<128x128xf32, #tpu.memory_space<vmem>>) dst(%dma_wait3A_103 : memref<128x128xf32, #tpu.memory_space<hbm>>)
      %add3A_107 = arith.constant 256 : i32
      %add3A_108 = arith.addi %mul3A_65, %add3A_107 : i32
      "tpu.region"() ({
        %run_scoped3A = tpu.sem_alloc : memref<!tpu.dma_semaphore, #tpu.memory_space<semaphore_mem>>
        %dma_start3A_206 = arith.constant 0 : i32
        %dma_start3A_207 = arith.constant 0 : i32
        %dma_start3A_208 = tpu.memref_slice %arg11[%dma_start3A_206, %dma_start3A_207] : memref<128x128xf32, #tpu.memory_space<vmem>> -> memref<128x128xf32, #tpu.memory_space<vmem>>
        %dma_start3A_209 = arith.constant 0 : i32
        %dma_start3A_210 = tpu.memref_slice %arg10[%add3A_108, %dma_start3A_209] : memref<10112x128xf32, #tpu.memory_space<vmem_shared>> -> memref<128x128xf32, #tpu.memory_space<vmem_shared>>
        %dma_start3A_211 = arith.constant 0 : i32
        %dma_start3A_212 = arith.constant 0 : i32
        %dma_start3A_213 = tpu.memref_slice %arg11[%dma_start3A_211, %dma_start3A_212] : memref<128x128xf32, #tpu.memory_space<vmem>> -> memref<128x128xf32, #tpu.memory_space<vmem>>
        %dma_start3A_214 = arith.constant 0 : i32
        %dma_start3A_215 = tpu.memref_slice %arg10[%add3A_108, %dma_start3A_214] : memref<10112x128xf32, #tpu.memory_space<vmem_shared>> -> memref<128x128xf32, #tpu.memory_space<vmem_shared>>
        tpu.enqueue_dma source(%dma_start3A_215 : memref<128x128xf32, #tpu.memory_space<vmem_shared>>) target(%dma_start3A_213 : memref<128x128xf32, #tpu.memory_space<vmem>>) target_semaphore(%run_scoped3A : memref<!tpu.dma_semaphore, #tpu.memory_space<semaphore_mem>>)
        %dma_wait3A_216 = arith.constant 0 : i32
        %dma_wait3A_217 = arith.constant 0 : i32
        %dma_wait3A_218 = tpu.memref_slice %arg11[%dma_wait3A_216, %dma_wait3A_217] : memref<128x128xf32, #tpu.memory_space<vmem>> -> memref<128x128xf32, #tpu.memory_space<vmem>>
        %dma_wait3A_219 = arith.constant 0 : i32
        %dma_wait3A_220 = tpu.memref_slice %arg10[%add3A_108, %dma_wait3A_219] : memref<10112x128xf32, #tpu.memory_space<vmem_shared>> -> memref<128x128xf32, #tpu.memory_space<vmem_shared>>
        %dma_wait3A_221 = arith.constant 0 : i32
        %dma_wait3A_222 = arith.constant 0 : i32
        %dma_wait3A_223 = tpu.memref_slice %arg11[%dma_wait3A_221, %dma_wait3A_222] : memref<128x128xf32, #tpu.memory_space<vmem>> -> memref<128x128xf32, #tpu.memory_space<vmem>>
        %dma_wait3A_224 = arith.constant 0 : i32
        %dma_wait3A_225 = tpu.memref_slice %arg10[%add3A_108, %dma_wait3A_224] : memref<10112x128xf32, #tpu.memory_space<vmem_shared>> -> memref<128x128xf32, #tpu.memory_space<vmem_shared>>
        tpu.wait_dma2 semaphore(%run_scoped3A : memref<!tpu.dma_semaphore, #tpu.memory_space<semaphore_mem>>) src(%dma_wait3A_225 : memref<128x128xf32, #tpu.memory_space<vmem_shared>>) dst(%dma_wait3A_223 : memref<128x128xf32, #tpu.memory_space<vmem>>)
        tpu.yield
      }) : () -> ()
      %add3A_109 = arith.constant 256 : i32
      %add3A_110 = arith.addi %mul3A_65, %add3A_109 : i32
      %dma_start3A_111 = arith.constant 0 : i32
      %dma_start3A_112 = arith.constant 0 : i32
      %dma_start3A_113 = tpu.memref_slice %arg11[%dma_start3A_111, %dma_start3A_112] : memref<128x128xf32, #tpu.memory_space<vmem>> -> memref<128x128xf32, #tpu.memory_space<vmem>>
      %dma_start3A_114 = arith.constant 0 : i32
      %dma_start3A_115 = tpu.memref_slice %arg8[%add3A_110, %dma_start3A_114] : memref<10000x128xf32, #tpu.memory_space<hbm>> -> memref<128x128xf32, #tpu.memory_space<hbm>>
      %dma_start3A_116 = arith.constant 0 : i32
      %dma_start3A_117 = tpu.memref_slice %arg8[%add3A_110, %dma_start3A_116] : memref<10000x128xf32, #tpu.memory_space<hbm>> -> memref<128x128xf32, #tpu.memory_space<hbm>>
      %dma_start3A_118 = arith.constant 0 : i32
      %dma_start3A_119 = arith.constant 0 : i32
      %dma_start3A_120 = tpu.memref_slice %arg11[%dma_start3A_118, %dma_start3A_119] : memref<128x128xf32, #tpu.memory_space<vmem>> -> memref<128x128xf32, #tpu.memory_space<vmem>>
      tpu.enqueue_dma source(%dma_start3A_120 : memref<128x128xf32, #tpu.memory_space<vmem>>) target(%dma_start3A_117 : memref<128x128xf32, #tpu.memory_space<hbm>>) target_semaphore(%arg22 : memref<!tpu.dma_semaphore, #tpu.memory_space<semaphore_mem>>)
      %add3A_121 = arith.constant 384 : i32
      %add3A_122 = arith.addi %mul3A_65, %add3A_121 : i32
      %sub3A_123 = arith.constant 256 : i32
      %sub3A_124 = arith.subi %add3A_122, %sub3A_123 : i32
      %dma_wait3A_125 = arith.constant 0 : i32
      %dma_wait3A_126 = arith.constant 0 : i32
      %dma_wait3A_127 = tpu.memref_slice %arg12[%dma_wait3A_125, %dma_wait3A_126] : memref<128x128xf32, #tpu.memory_space<vmem>> -> memref<128x128xf32, #tpu.memory_space<vmem>>
      %dma_wait3A_128 = arith.constant 0 : i32
      %dma_wait3A_129 = tpu.memref_slice %arg8[%sub3A_124, %dma_wait3A_128] : memref<10000x128xf32, #tpu.memory_space<hbm>> -> memref<128x128xf32, #tpu.memory_space<hbm>>
      %dma_wait3A_130 = arith.constant 0 : i32
      %dma_wait3A_131 = tpu.memref_slice %arg8[%sub3A_124, %dma_wait3A_130] : memref<10000x128xf32, #tpu.memory_space<hbm>> -> memref<128x128xf32, #tpu.memory_space<hbm>>
      %dma_wait3A_132 = arith.constant 0 : i32
      %dma_wait3A_133 = arith.constant 0 : i32
      %dma_wait3A_134 = tpu.memref_slice %arg12[%dma_wait3A_132, %dma_wait3A_133] : memref<128x128xf32, #tpu.memory_space<vmem>> -> memref<128x128xf32, #tpu.memory_space<vmem>>
      tpu.wait_dma2 semaphore(%arg23 : memref<!tpu.dma_semaphore, #tpu.memory_space<semaphore_mem>>) src(%dma_wait3A_134 : memref<128x128xf32, #tpu.memory_space<vmem>>) dst(%dma_wait3A_131 : memref<128x128xf32, #tpu.memory_space<hbm>>)
      %add3A_135 = arith.constant 384 : i32
      %add3A_136 = arith.addi %mul3A_65, %add3A_135 : i32
      "tpu.region"() ({
        %run_scoped3A = tpu.sem_alloc : memref<!tpu.dma_semaphore, #tpu.memory_space<semaphore_mem>>
        %dma_start3A_206 = arith.constant 0 : i32
        %dma_start3A_207 = arith.constant 0 : i32
        %dma_start3A_208 = tpu.memref_slice %arg12[%dma_start3A_206, %dma_start3A_207] : memref<128x128xf32, #tpu.memory_space<vmem>> -> memref<128x128xf32, #tpu.memory_space<vmem>>
        %dma_start3A_209 = arith.constant 0 : i32
        %dma_start3A_210 = tpu.memref_slice %arg10[%add3A_136, %dma_start3A_209] : memref<10112x128xf32, #tpu.memory_space<vmem_shared>> -> memref<128x128xf32, #tpu.memory_space<vmem_shared>>
        %dma_start3A_211 = arith.constant 0 : i32
        %dma_start3A_212 = arith.constant 0 : i32
        %dma_start3A_213 = tpu.memref_slice %arg12[%dma_start3A_211, %dma_start3A_212] : memref<128x128xf32, #tpu.memory_space<vmem>> -> memref<128x128xf32, #tpu.memory_space<vmem>>
        %dma_start3A_214 = arith.constant 0 : i32
        %dma_start3A_215 = tpu.memref_slice %arg10[%add3A_136, %dma_start3A_214] : memref<10112x128xf32, #tpu.memory_space<vmem_shared>> -> memref<128x128xf32, #tpu.memory_space<vmem_shared>>
        tpu.enqueue_dma source(%dma_start3A_215 : memref<128x128xf32, #tpu.memory_space<vmem_shared>>) target(%dma_start3A_213 : memref<128x128xf32, #tpu.memory_space<vmem>>) target_semaphore(%run_scoped3A : memref<!tpu.dma_semaphore, #tpu.memory_space<semaphore_mem>>)
        %dma_wait3A_216 = arith.constant 0 : i32
        %dma_wait3A_217 = arith.constant 0 : i32
        %dma_wait3A_218 = tpu.memref_slice %arg12[%dma_wait3A_216, %dma_wait3A_217] : memref<128x128xf32, #tpu.memory_space<vmem>> -> memref<128x128xf32, #tpu.memory_space<vmem>>
        %dma_wait3A_219 = arith.constant 0 : i32
        %dma_wait3A_220 = tpu.memref_slice %arg10[%add3A_136, %dma_wait3A_219] : memref<10112x128xf32, #tpu.memory_space<vmem_shared>> -> memref<128x128xf32, #tpu.memory_space<vmem_shared>>
        %dma_wait3A_221 = arith.constant 0 : i32
        %dma_wait3A_222 = arith.constant 0 : i32
        %dma_wait3A_223 = tpu.memref_slice %arg12[%dma_wait3A_221, %dma_wait3A_222] : memref<128x128xf32, #tpu.memory_space<vmem>> -> memref<128x128xf32, #tpu.memory_space<vmem>>
        %dma_wait3A_224 = arith.constant 0 : i32
        %dma_wait3A_225 = tpu.memref_slice %arg10[%add3A_136, %dma_wait3A_224] : memref<10112x128xf32, #tpu.memory_space<vmem_shared>> -> memref<128x128xf32, #tpu.memory_space<vmem_shared>>
        tpu.wait_dma2 semaphore(%run_scoped3A : memref<!tpu.dma_semaphore, #tpu.memory_space<semaphore_mem>>) src(%dma_wait3A_225 : memref<128x128xf32, #tpu.memory_space<vmem_shared>>) dst(%dma_wait3A_223 : memref<128x128xf32, #tpu.memory_space<vmem>>)
        tpu.yield
      }) : () -> ()
      %add3A_137 = arith.constant 384 : i32
      %add3A_138 = arith.addi %mul3A_65, %add3A_137 : i32
      %dma_start3A_139 = arith.constant 0 : i32
      %dma_start3A_140 = arith.constant 0 : i32
      %dma_start3A_141 = tpu.memref_slice %arg12[%dma_start3A_139, %dma_start3A_140] : memref<128x128xf32, #tpu.memory_space<vmem>> -> memref<128x128xf32, #tpu.memory_space<vmem>>
      %dma_start3A_142 = arith.constant 0 : i32
      %dma_start3A_143 = tpu.memref_slice %arg8[%add3A_138, %dma_start3A_142] : memref<10000x128xf32, #tpu.memory_space<hbm>> -> memref<128x128xf32, #tpu.memory_space<hbm>>
      %dma_start3A_144 = arith.constant 0 : i32
      %dma_start3A_145 = tpu.memref_slice %arg8[%add3A_138, %dma_start3A_144] : memref<10000x128xf32, #tpu.memory_space<hbm>> -> memref<128x128xf32, #tpu.memory_space<hbm>>
      %dma_start3A_146 = arith.constant 0 : i32
      %dma_start3A_147 = arith.constant 0 : i32
      %dma_start3A_148 = tpu.memref_slice %arg12[%dma_start3A_146, %dma_start3A_147] : memref<128x128xf32, #tpu.memory_space<vmem>> -> memref<128x128xf32, #tpu.memory_space<vmem>>
      tpu.enqueue_dma source(%dma_start3A_148 : memref<128x128xf32, #tpu.memory_space<vmem>>) target(%dma_start3A_145 : memref<128x128xf32, #tpu.memory_space<hbm>>) target_semaphore(%arg23 : memref<!tpu.dma_semaphore, #tpu.memory_space<semaphore_mem>>)
      %add3A_149 = arith.constant 512 : i32
      %add3A_150 = arith.addi %mul3A_65, %add3A_149 : i32
      %sub3A_151 = arith.constant 256 : i32
      %sub3A_152 = arith.subi %add3A_150, %sub3A_151 : i32
      %dma_wait3A_153 = arith.constant 0 : i32
      %dma_wait3A_154 = arith.constant 0 : i32
      %dma_wait3A_155 = tpu.memref_slice %arg11[%dma_wait3A_153, %dma_wait3A_154] : memref<128x128xf32, #tpu.memory_space<vmem>> -> memref<128x128xf32, #tpu.memory_space<vmem>>
      %dma_wait3A_156 = arith.constant 0 : i32
      %dma_wait3A_157 = tpu.memref_slice %arg8[%sub3A_152, %dma_wait3A_156] : memref<10000x128xf32, #tpu.memory_space<hbm>> -> memref<128x128xf32, #tpu.memory_space<hbm>>
      %dma_wait3A_158 = arith.constant 0 : i32
      %dma_wait3A_159 = tpu.memref_slice %arg8[%sub3A_152, %dma_wait3A_158] : memref<10000x128xf32, #tpu.memory_space<hbm>> -> memref<128x128xf32, #tpu.memory_space<hbm>>
      %dma_wait3A_160 = arith.constant 0 : i32
      %dma_wait3A_161 = arith.constant 0 : i32
      %dma_wait3A_162 = tpu.memref_slice %arg11[%dma_wait3A_160, %dma_wait3A_161] : memref<128x128xf32, #tpu.memory_space<vmem>> -> memref<128x128xf32, #tpu.memory_space<vmem>>
      tpu.wait_dma2 semaphore(%arg22 : memref<!tpu.dma_semaphore, #tpu.memory_space<semaphore_mem>>) src(%dma_wait3A_162 : memref<128x128xf32, #tpu.memory_space<vmem>>) dst(%dma_wait3A_159 : memref<128x128xf32, #tpu.memory_space<hbm>>)
      %add3A_163 = arith.constant 512 : i32
      %add3A_164 = arith.addi %mul3A_65, %add3A_163 : i32
      "tpu.region"() ({
        %run_scoped3A = tpu.sem_alloc : memref<!tpu.dma_semaphore, #tpu.memory_space<semaphore_mem>>
        %dma_start3A_206 = arith.constant 0 : i32
        %dma_start3A_207 = arith.constant 0 : i32
        %dma_start3A_208 = tpu.memref_slice %arg11[%dma_start3A_206, %dma_start3A_207] : memref<128x128xf32, #tpu.memory_space<vmem>> -> memref<112x128xf32, #tpu.memory_space<vmem>>
        %dma_start3A_209 = arith.constant 0 : i32
        %dma_start3A_210 = tpu.memref_slice %arg10[%add3A_164, %dma_start3A_209] : memref<10112x128xf32, #tpu.memory_space<vmem_shared>> -> memref<112x128xf32, #tpu.memory_space<vmem_shared>>
        %dma_start3A_211 = arith.constant 0 : i32
        %dma_start3A_212 = arith.constant 0 : i32
        %dma_start3A_213 = tpu.memref_slice %arg11[%dma_start3A_211, %dma_start3A_212] : memref<128x128xf32, #tpu.memory_space<vmem>> -> memref<112x128xf32, #tpu.memory_space<vmem>>
        %dma_start3A_214 = arith.constant 0 : i32
        %dma_start3A_215 = tpu.memref_slice %arg10[%add3A_164, %dma_start3A_214] : memref<10112x128xf32, #tpu.memory_space<vmem_shared>> -> memref<112x128xf32, #tpu.memory_space<vmem_shared>>
        tpu.enqueue_dma source(%dma_start3A_215 : memref<112x128xf32, #tpu.memory_space<vmem_shared>>) target(%dma_start3A_213 : memref<112x128xf32, #tpu.memory_space<vmem>>) target_semaphore(%run_scoped3A : memref<!tpu.dma_semaphore, #tpu.memory_space<semaphore_mem>>)
        %dma_wait3A_216 = arith.constant 0 : i32
        %dma_wait3A_217 = arith.constant 0 : i32
        %dma_wait3A_218 = tpu.memref_slice %arg11[%dma_wait3A_216, %dma_wait3A_217] : memref<128x128xf32, #tpu.memory_space<vmem>> -> memref<112x128xf32, #tpu.memory_space<vmem>>
        %dma_wait3A_219 = arith.constant 0 : i32
        %dma_wait3A_220 = tpu.memref_slice %arg10[%add3A_164, %dma_wait3A_219] : memref<10112x128xf32, #tpu.memory_space<vmem_shared>> -> memref<112x128xf32, #tpu.memory_space<vmem_shared>>
        %dma_wait3A_221 = arith.constant 0 : i32
        %dma_wait3A_222 = arith.constant 0 : i32
        %dma_wait3A_223 = tpu.memref_slice %arg11[%dma_wait3A_221, %dma_wait3A_222] : memref<128x128xf32, #tpu.memory_space<vmem>> -> memref<112x128xf32, #tpu.memory_space<vmem>>
        %dma_wait3A_224 = arith.constant 0 : i32
        %dma_wait3A_225 = tpu.memref_slice %arg10[%add3A_164, %dma_wait3A_224] : memref<10112x128xf32, #tpu.memory_space<vmem_shared>> -> memref<112x128xf32, #tpu.memory_space<vmem_shared>>
        tpu.wait_dma2 semaphore(%run_scoped3A : memref<!tpu.dma_semaphore, #tpu.memory_space<semaphore_mem>>) src(%dma_wait3A_225 : memref<112x128xf32, #tpu.memory_space<vmem_shared>>) dst(%dma_wait3A_223 : memref<112x128xf32, #tpu.memory_space<vmem>>)
        tpu.yield
      }) : () -> ()
      %add3A_165 = arith.constant 512 : i32
      %add3A_166 = arith.addi %mul3A_65, %add3A_165 : i32
      %dma_start3A_167 = arith.constant 0 : i32
      %dma_start3A_168 = arith.constant 0 : i32
      %dma_start3A_169 = tpu.memref_slice %arg11[%dma_start3A_167, %dma_start3A_168] : memref<128x128xf32, #tpu.memory_space<vmem>> -> memref<112x128xf32, #tpu.memory_space<vmem>>
      %dma_start3A_170 = arith.constant 0 : i32
      %dma_start3A_171 = tpu.memref_slice %arg8[%add3A_166, %dma_start3A_170] : memref<10000x128xf32, #tpu.memory_space<hbm>> -> memref<112x128xf32, #tpu.memory_space<hbm>>
      %dma_start3A_172 = arith.constant 0 : i32
      %dma_start3A_173 = tpu.memref_slice %arg8[%add3A_166, %dma_start3A_172] : memref<10000x128xf32, #tpu.memory_space<hbm>> -> memref<112x128xf32, #tpu.memory_space<hbm>>
      %dma_start3A_174 = arith.constant 0 : i32
      %dma_start3A_175 = arith.constant 0 : i32
      %dma_start3A_176 = tpu.memref_slice %arg11[%dma_start3A_174, %dma_start3A_175] : memref<128x128xf32, #tpu.memory_space<vmem>> -> memref<112x128xf32, #tpu.memory_space<vmem>>
      tpu.enqueue_dma source(%dma_start3A_176 : memref<112x128xf32, #tpu.memory_space<vmem>>) target(%dma_start3A_173 : memref<112x128xf32, #tpu.memory_space<hbm>>) target_semaphore(%arg22 : memref<!tpu.dma_semaphore, #tpu.memory_space<semaphore_mem>>)
      %add3A_177 = arith.constant 512 : i32
      %add3A_178 = arith.addi %mul3A_65, %add3A_177 : i32
      %dma_wait3A_179 = arith.constant 0 : i32
      %dma_wait3A_180 = arith.constant 0 : i32
      %dma_wait3A_181 = tpu.memref_slice %arg11[%dma_wait3A_179, %dma_wait3A_180] : memref<128x128xf32, #tpu.memory_space<vmem>> -> memref<112x128xf32, #tpu.memory_space<vmem>>
      %dma_wait3A_182 = arith.constant 0 : i32
      %dma_wait3A_183 = tpu.memref_slice %arg8[%add3A_178, %dma_wait3A_182] : memref<10000x128xf32, #tpu.memory_space<hbm>> -> memref<112x128xf32, #tpu.memory_space<hbm>>
      %dma_wait3A_184 = arith.constant 0 : i32
      %dma_wait3A_185 = tpu.memref_slice %arg8[%add3A_178, %dma_wait3A_184] : memref<10000x128xf32, #tpu.memory_space<hbm>> -> memref<112x128xf32, #tpu.memory_space<hbm>>
      %dma_wait3A_186 = arith.constant 0 : i32
      %dma_wait3A_187 = arith.constant 0 : i32
      %dma_wait3A_188 = tpu.memref_slice %arg11[%dma_wait3A_186, %dma_wait3A_187] : memref<128x128xf32, #tpu.memory_space<vmem>> -> memref<112x128xf32, #tpu.memory_space<vmem>>
      tpu.wait_dma2 semaphore(%arg22 : memref<!tpu.dma_semaphore, #tpu.memory_space<semaphore_mem>>) src(%dma_wait3A_188 : memref<112x128xf32, #tpu.memory_space<vmem>>) dst(%dma_wait3A_185 : memref<112x128xf32, #tpu.memory_space<hbm>>)
      %add3A_189 = arith.constant 384 : i32
      %add3A_190 = arith.addi %mul3A_65, %add3A_189 : i32
      %dma_wait3A_191 = arith.constant 0 : i32
      %dma_wait3A_192 = arith.constant 0 : i32
      %dma_wait3A_193 = tpu.memref_slice %arg12[%dma_wait3A_191, %dma_wait3A_192] : memref<128x128xf32, #tpu.memory_space<vmem>> -> memref<128x128xf32, #tpu.memory_space<vmem>>
      %dma_wait3A_194 = arith.constant 0 : i32
      %dma_wait3A_195 = tpu.memref_slice %arg8[%add3A_190, %dma_wait3A_194] : memref<10000x128xf32, #tpu.memory_space<hbm>> -> memref<128x128xf32, #tpu.memory_space<hbm>>
      %dma_wait3A_196 = arith.constant 0 : i32
      %dma_wait3A_197 = tpu.memref_slice %arg8[%add3A_190, %dma_wait3A_196] : memref<10000x128xf32, #tpu.memory_space<hbm>> -> memref<128x128xf32, #tpu.memory_space<hbm>>
      %dma_wait3A_198 = arith.constant 0 : i32
      %dma_wait3A_199 = arith.constant 0 : i32
      %dma_wait3A_200 = tpu.memref_slice %arg12[%dma_wait3A_198, %dma_wait3A_199] : memref<128x128xf32, #tpu.memory_space<vmem>> -> memref<128x128xf32, #tpu.memory_space<vmem>>
      tpu.wait_dma2 semaphore(%arg23 : memref<!tpu.dma_semaphore, #tpu.memory_space<semaphore_mem>>) src(%dma_wait3A_200 : memref<128x128xf32, #tpu.memory_space<vmem>>) dst(%dma_wait3A_197 : memref<128x128xf32, #tpu.memory_space<hbm>>)
      %eq3A_201 = arith.constant 15 : i32
      %eq3A_202 = arith.cmpi eq, %arg1, %eq3A_201 : i32
      %convert_element_type3A_203 = arith.extui %eq3A_202 : i1 to i32
      %cond3A_204 = arith.constant 0 : i32
      %cond3A_205 = arith.cmpi ne, %convert_element_type3A_203, %cond3A_204 : i32
      scf.if %cond3A_205 {
        "tpu.region"() ({
          %run_scoped3A = tpu.sem_alloc : memref<!tpu.dma_semaphore, #tpu.memory_space<semaphore_mem>>
          %dma_start3A_230 = arith.constant 0 : i32
          %dma_start3A_231 = arith.constant 0 : i32
          %dma_start3A_232 = tpu.memref_slice %arg11[%dma_start3A_230, %dma_start3A_231] : memref<128x128xf32, #tpu.memory_space<vmem>> -> memref<16x128xf32, #tpu.memory_space<vmem>>
          %dma_start3A_233 = arith.constant 9984 : i32
          %dma_start3A_234 = arith.constant 0 : i32
          %dma_start3A_235 = tpu.memref_slice %arg10[%dma_start3A_233, %dma_start3A_234] : memref<10112x128xf32, #tpu.memory_space<vmem_shared>> -> memref<16x128xf32, #tpu.memory_space<vmem_shared>>
          %dma_start3A_236 = arith.constant 0 : i32
          %dma_start3A_237 = arith.constant 0 : i32
          %dma_start3A_238 = tpu.memref_slice %arg11[%dma_start3A_236, %dma_start3A_237] : memref<128x128xf32, #tpu.memory_space<vmem>> -> memref<16x128xf32, #tpu.memory_space<vmem>>
          %dma_start3A_239 = arith.constant 9984 : i32
          %dma_start3A_240 = arith.constant 0 : i32
          %dma_start3A_241 = tpu.memref_slice %arg10[%dma_start3A_239, %dma_start3A_240] : memref<10112x128xf32, #tpu.memory_space<vmem_shared>> -> memref<16x128xf32, #tpu.memory_space<vmem_shared>>
          tpu.enqueue_dma source(%dma_start3A_241 : memref<16x128xf32, #tpu.memory_space<vmem_shared>>) target(%dma_start3A_238 : memref<16x128xf32, #tpu.memory_space<vmem>>) target_semaphore(%run_scoped3A : memref<!tpu.dma_semaphore, #tpu.memory_space<semaphore_mem>>)
          %dma_wait3A_242 = arith.constant 0 : i32
          %dma_wait3A_243 = arith.constant 0 : i32
          %dma_wait3A_244 = tpu.memref_slice %arg11[%dma_wait3A_242, %dma_wait3A_243] : memref<128x128xf32, #tpu.memory_space<vmem>> -> memref<16x128xf32, #tpu.memory_space<vmem>>
          %dma_wait3A_245 = arith.constant 9984 : i32
          %dma_wait3A_246 = arith.constant 0 : i32
          %dma_wait3A_247 = tpu.memref_slice %arg10[%dma_wait3A_245, %dma_wait3A_246] : memref<10112x128xf32, #tpu.memory_space<vmem_shared>> -> memref<16x128xf32, #tpu.memory_space<vmem_shared>>
          %dma_wait3A_248 = arith.constant 0 : i32
          %dma_wait3A_249 = arith.constant 0 : i32
          %dma_wait3A_250 = tpu.memref_slice %arg11[%dma_wait3A_248, %dma_wait3A_249] : memref<128x128xf32, #tpu.memory_space<vmem>> -> memref<16x128xf32, #tpu.memory_space<vmem>>
          %dma_wait3A_251 = arith.constant 9984 : i32
          %dma_wait3A_252 = arith.constant 0 : i32
          %dma_wait3A_253 = tpu.memref_slice %arg10[%dma_wait3A_251, %dma_wait3A_252] : memref<10112x128xf32, #tpu.memory_space<vmem_shared>> -> memref<16x128xf32, #tpu.memory_space<vmem_shared>>
          tpu.wait_dma2 semaphore(%run_scoped3A : memref<!tpu.dma_semaphore, #tpu.memory_space<semaphore_mem>>) src(%dma_wait3A_253 : memref<16x128xf32, #tpu.memory_space<vmem_shared>>) dst(%dma_wait3A_250 : memref<16x128xf32, #tpu.memory_space<vmem>>)
          tpu.yield
        }) : () -> ()
        %dma_start3A_206 = arith.constant 0 : i32
        %dma_start3A_207 = arith.constant 0 : i32
        %dma_start3A_208 = tpu.memref_slice %arg11[%dma_start3A_206, %dma_start3A_207] : memref<128x128xf32, #tpu.memory_space<vmem>> -> memref<16x128xf32, #tpu.memory_space<vmem>>
        %dma_start3A_209 = arith.constant 9984 : i32
        %dma_start3A_210 = arith.constant 0 : i32
        %dma_start3A_211 = tpu.memref_slice %arg8[%dma_start3A_209, %dma_start3A_210] : memref<10000x128xf32, #tpu.memory_space<hbm>> -> memref<16x128xf32, #tpu.memory_space<hbm>>
        %dma_start3A_212 = arith.constant 9984 : i32
        %dma_start3A_213 = arith.constant 0 : i32
        %dma_start3A_214 = tpu.memref_slice %arg8[%dma_start3A_212, %dma_start3A_213] : memref<10000x128xf32, #tpu.memory_space<hbm>> -> memref<16x128xf32, #tpu.memory_space<hbm>>
        %dma_start3A_215 = arith.constant 0 : i32
        %dma_start3A_216 = arith.constant 0 : i32
        %dma_start3A_217 = tpu.memref_slice %arg11[%dma_start3A_215, %dma_start3A_216] : memref<128x128xf32, #tpu.memory_space<vmem>> -> memref<16x128xf32, #tpu.memory_space<vmem>>
        tpu.enqueue_dma source(%dma_start3A_217 : memref<16x128xf32, #tpu.memory_space<vmem>>) target(%dma_start3A_214 : memref<16x128xf32, #tpu.memory_space<hbm>>) target_semaphore(%arg22 : memref<!tpu.dma_semaphore, #tpu.memory_space<semaphore_mem>>)
        %dma_wait3A_218 = arith.constant 0 : i32
        %dma_wait3A_219 = arith.constant 0 : i32
        %dma_wait3A_220 = tpu.memref_slice %arg11[%dma_wait3A_218, %dma_wait3A_219] : memref<128x128xf32, #tpu.memory_space<vmem>> -> memref<16x128xf32, #tpu.memory_space<vmem>>
        %dma_wait3A_221 = arith.constant 9984 : i32
        %dma_wait3A_222 = arith.constant 0 : i32
        %dma_wait3A_223 = tpu.memref_slice %arg8[%dma_wait3A_221, %dma_wait3A_222] : memref<10000x128xf32, #tpu.memory_space<hbm>> -> memref<16x128xf32, #tpu.memory_space<hbm>>
        %dma_wait3A_224 = arith.constant 9984 : i32
        %dma_wait3A_225 = arith.constant 0 : i32
        %dma_wait3A_226 = tpu.memref_slice %arg8[%dma_wait3A_224, %dma_wait3A_225] : memref<10000x128xf32, #tpu.memory_space<hbm>> -> memref<16x128xf32, #tpu.memory_space<hbm>>
        %dma_wait3A_227 = arith.constant 0 : i32
        %dma_wait3A_228 = arith.constant 0 : i32
        %dma_wait3A_229 = tpu.memref_slice %arg11[%dma_wait3A_227, %dma_wait3A_228] : memref<128x128xf32, #tpu.memory_space<vmem>> -> memref<16x128xf32, #tpu.memory_space<vmem>>
        tpu.wait_dma2 semaphore(%arg22 : memref<!tpu.dma_semaphore, #tpu.memory_space<semaphore_mem>>) src(%dma_wait3A_229 : memref<16x128xf32, #tpu.memory_space<vmem>>) dst(%dma_wait3A_226 : memref<16x128xf32, #tpu.memory_space<hbm>>)
      } else {
      }
    } else {
    }
    return
  }
}

module attributes {stable_mosaic.version = 14 : i64} {
  func.func @_scale_body(%arg0: i32, %arg1: i32, %arg2: memref<1000x128xf32, #tpu.memory_space<vmem>>, %arg3: memref<1000x1xf32, #tpu.memory_space<vmem>>, %arg4: memref<1x1000x128xf32, #tpu.memory_space<vmem>>) attributes {dimension_semantics = [#tpu.dimension_semantics<arbitrary>, #tpu.dimension_semantics<arbitrary>], iteration_bounds = array<i64: 10, 2>, scalar_prefetch = 0 : i64, scratch_operands = 0 : i64, tpu.core_type = #tpu.core_type<tc>, window_params = [{transform_indices = @transform_0, window_bounds = array<i64: 1000, 128>}, {transform_indices = @transform_1, window_bounds = array<i64: 1000, 1>}, {transform_indices = @transform_2, window_bounds = array<i64: 1, 1000, 128>}]} {
    %get3A = arith.constant 0 : index
    %get3A_0 = arith.constant 0 : index
    %get3A_1 = vector.load %arg2[%get3A, %get3A_0] : memref<1000x128xf32, #tpu.memory_space<vmem>>, vector<1000x128xf32>
    %get3A_2 = arith.constant 0 : index
    %get3A_3 = arith.constant 0 : index
    %get3A_4 = vector.load %arg3[%get3A_2, %get3A_3] : memref<1000x1xf32, #tpu.memory_space<vmem>>, vector<1000x1xf32>
    %mul3A = vector.broadcast %get3A_4 : vector<1000x1xf32> to vector<1000x128xf32>
    %mul3A_5 = arith.mulf %get3A_1, %mul3A : vector<1000x128xf32>
    %swap3A = arith.constant 0 : index
    %swap3A_6 = arith.constant 0 : index
    %swap3A_7 = arith.constant 0 : index
    %swap3A_8 = vector.load %arg4[%swap3A, %swap3A_6, %swap3A_7] : memref<1x1000x128xf32, #tpu.memory_space<vmem>>, vector<1x1000x128xf32>
    %swap3A_9 = vector.shape_cast %swap3A_8 : vector<1x1000x128xf32> to vector<1000x128xf32>
    %swap3A_10 = vector.shape_cast %mul3A_5 : vector<1000x128xf32> to vector<1x1000x128xf32>
    tpu.vector_store %arg4[%swap3A, %swap3A_6, %swap3A_7], %swap3A_10 {strides = array<i32>} : memref<1x1000x128xf32, #tpu.memory_space<vmem>>, vector<1x1000x128xf32>,
    return
  }
  func.func @transform_0(%arg0: i32, %arg1: i32) -> (i32, i32) {
    %c0_i32 = arith.constant 0 : i32
    return %arg0, %arg1 : i32, i32
  }
  func.func @transform_1(%arg0: i32, %arg1: i32) -> (i32, i32) {
    %c0_i32 = arith.constant 0 : i32
    %c0_i32_0 = arith.constant 0 : i32
    return %arg0, %c0_i32 : i32, i32
  }
  func.func @transform_2(%arg0: i32, %arg1: i32) -> (i32, i32, i32) {
    %c0_i32 = arith.constant 0 : i32
    %c0_i32_0 = arith.constant 0 : i32
    return %arg1, %arg0, %c0_i32 : i32, i32, i32
  }
}

module attributes {stable_mosaic.version = 14 : i64} {
  func.func @_post_body(%arg0: i32, %arg1: memref<1024x128xf32, #tpu.memory_space<vmem>>, %arg2: memref<1024x128xf32, #tpu.memory_space<vmem>>, %arg3: memref<32x1024xf32, #tpu.memory_space<vmem>>, %arg4: memref<1024x256xf32, #tpu.memory_space<vmem>>, %arg5: memref<1024x1xf32, #tpu.memory_space<vmem>>, %arg6: memref<256x256xf32, #tpu.memory_space<vmem>>, %arg7: memref<1x256xf32, #tpu.memory_space<vmem>>, %arg8: memref<1x256xf32, #tpu.memory_space<vmem>>, %arg9: memref<1024x256xf32, #tpu.memory_space<vmem>>) attributes {dimension_semantics = [#tpu.dimension_semantics<arbitrary>], iteration_bounds = array<i64: 10>, scalar_prefetch = 0 : i64, scratch_operands = 0 : i64, tpu.core_type = #tpu.core_type<tc>, window_params = [{transform_indices = @transform_0, window_bounds = array<i64: 1024, 128>}, {transform_indices = @transform_1, window_bounds = array<i64: 1024, 128>}, {transform_indices = @transform_2, window_bounds = array<i64: 32, 1024>}, {transform_indices = @transform_3, window_bounds = array<i64: 1024, 256>}, {transform_indices = @transform_4, window_bounds = array<i64: 1024, 1>}, {pipeline_mode = #tpu.pipeline_mode<synchronous>, transform_indices = @transform_5, window_bounds = array<i64: 256, 256>}, {pipeline_mode = #tpu.pipeline_mode<synchronous>, transform_indices = @transform_6, window_bounds = array<i64: 1, 256>}, {pipeline_mode = #tpu.pipeline_mode<synchronous>, transform_indices = @transform_7, window_bounds = array<i64: 1, 256>}, {transform_indices = @transform_8, window_bounds = array<i64: 1024, 256>}]} {
    %get3A = arith.constant 0 : index
    %get3A_0 = arith.constant 0 : index
    %get3A_1 = vector.load %arg3[%get3A, %get3A_0] : memref<32x1024xf32, #tpu.memory_space<vmem>>, vector<32x1024xf32>
    %broadcast_in_dim3A = arith.constant 1.000000e+00 : f32
    %broadcast_in_dim3A_2 = vector.broadcast %broadcast_in_dim3A : f32 to vector<32x1xf32>
    %dot_general3A = arith.constant dense<0.000000e+00> : vector<1024x1xf32>
    %dot_general3A_3 = tpu.matmul %get3A_1, %broadcast_in_dim3A_2, %dot_general3A {dimension_numbers = #tpu.dot_dimension_numbers<[0], [0], [1], [1], [0, 1, 1, 1], [], []>, transpose_lhs_hint = false} : vector<32x1024xf32>, vector<32x1xf32>, vector<1024x1xf32> -> vector<1024x1xf32>
    %get3A_4 = arith.constant 0 : index
    %get3A_5 = arith.constant 0 : index
    %get3A_6 = vector.load %arg5[%get3A_4, %get3A_5] : memref<1024x1xf32, #tpu.memory_space<vmem>>, vector<1024x1xf32>
    %get3A_7 = arith.constant 0 : index
    %get3A_8 = arith.constant 0 : index
    %get3A_9 = vector.load %arg4[%get3A_7, %get3A_8] : memref<1024x256xf32, #tpu.memory_space<vmem>>, vector<1024x256xf32>
    %mul3A = vector.broadcast %get3A_6 : vector<1024x1xf32> to vector<1024x256xf32>
    %mul3A_10 = arith.mulf %get3A_9, %mul3A : vector<1024x256xf32>
    %get3A_11 = arith.constant 0 : index
    %get3A_12 = arith.constant 0 : index
    %get3A_13 = vector.load %arg1[%get3A_11, %get3A_12] : memref<1024x128xf32, #tpu.memory_space<vmem>>, vector<1024x128xf32>
    %get3A_14 = arith.constant 0 : index
    %get3A_15 = arith.constant 0 : index
    %get3A_16 = vector.load %arg2[%get3A_14, %get3A_15] : memref<1024x128xf32, #tpu.memory_space<vmem>>, vector<1024x128xf32>
    %concatenate3A = tpu.concatenate %get3A_13, %get3A_16 in 1 : vector<1024x128xf32>, vector<1024x128xf32> -> vector<1024x256xf32>
    %gt3A = arith.constant 0.000000e+00 : f32
    %gt3A_17 = vector.broadcast %gt3A : f32 to vector<1024x1xf32>
    %gt3A_18 = arith.cmpf ogt, %dot_general3A_3, %gt3A_17 : vector<1024x1xf32>
    %max3A = arith.constant 1.000000e+00 : f32
    %max3A_19 = vector.broadcast %max3A : f32 to vector<1024x1xf32>
    %max3A_20 = arith.maximumf %dot_general3A_3, %max3A_19 : vector<1024x1xf32>
    %div3A = vector.broadcast %max3A_20 : vector<1024x1xf32> to vector<1024x256xf32>
    %div3A_21 = arith.divf %concatenate3A, %div3A : vector<1024x256xf32>
    %broadcast_in_dim3A_22 = vector.shape_cast %gt3A_18 : vector<1024x1xi1> to vector<1024x1xi1>
    %broadcast_in_dim3A_23 = vector.broadcast %broadcast_in_dim3A_22 : vector<1024x1xi1> to vector<1024x256xi1>
    %select_n3A = arith.select %broadcast_in_dim3A_23, %div3A_21, %mul3A_10 : vector<1024x256xi1>, vector<1024x256xf32>
    %get3A_24 = arith.constant 0 : index
    %get3A_25 = arith.constant 0 : index
    %get3A_26 = vector.load %arg6[%get3A_24, %get3A_25] : memref<256x256xf32, #tpu.memory_space<vmem>>, vector<256x256xf32>
    %dot_general3A_27 = arith.constant dense<0.000000e+00> : vector<1024x256xf32>
    %dot_general3A_28 = tpu.matmul %select_n3A, %get3A_26, %dot_general3A_27 {dimension_numbers = #tpu.dot_dimension_numbers<[1], [0], [0], [1], [0, 0, 1, 1], [], []>, transpose_lhs_hint = false} : vector<1024x256xf32>, vector<256x256xf32>, vector<1024x256xf32> -> vector<1024x256xf32>
    %get3A_29 = arith.constant 0 : index
    %get3A_30 = arith.constant 0 : index
    %get3A_31 = vector.load %arg7[%get3A_29, %get3A_30] : memref<1x256xf32, #tpu.memory_space<vmem>>, vector<1x256xf32>
    %add3A = vector.broadcast %get3A_31 : vector<1x256xf32> to vector<1024x256xf32>
    %add3A_32 = arith.addf %dot_general3A_28, %add3A : vector<1024x256xf32>
    %mul3A_33 = vector.broadcast %get3A_6 : vector<1024x1xf32> to vector<1024x256xf32>
    %mul3A_34 = arith.mulf %add3A_32, %mul3A_33 : vector<1024x256xf32>
    %get3A_35 = arith.constant 0 : index
    %get3A_36 = arith.constant 0 : index
    %get3A_37 = vector.load %arg8[%get3A_35, %get3A_36] : memref<1x256xf32, #tpu.memory_space<vmem>>, vector<1x256xf32>
    %add3A_38 = vector.broadcast %get3A_37 : vector<1x256xf32> to vector<1024x256xf32>
    %add3A_39 = arith.addf %mul3A_34, %add3A_38 : vector<1024x256xf32>
    %max3A_40 = arith.constant 0.000000e+00 : f32
    %max3A_41 = vector.broadcast %max3A_40 : f32 to vector<1024x256xf32>
    %max3A_42 = arith.maximumf %add3A_39, %max3A_41 : vector<1024x256xf32>
    %get3A_43 = arith.constant 0 : index
    %get3A_44 = arith.constant 0 : index
    %get3A_45 = vector.load %arg4[%get3A_43, %get3A_44] : memref<1024x256xf32, #tpu.memory_space<vmem>>, vector<1024x256xf32>
    %add3A_46 = arith.addf %get3A_45, %max3A_42 : vector<1024x256xf32>
    %swap3A = arith.constant 0 : index
    %swap3A_47 = arith.constant 0 : index
    %swap3A_48 = vector.load %arg9[%swap3A, %swap3A_47] : memref<1024x256xf32, #tpu.memory_space<vmem>>, vector<1024x256xf32>
    tpu.vector_store %arg9[%swap3A, %swap3A_47], %add3A_46 {strides = array<i32>} : memref<1024x256xf32, #tpu.memory_space<vmem>>, vector<1024x256xf32>,
    return
  }
  func.func @transform_0(%arg0: i32) -> (i32, i32) {
    %c0_i32 = arith.constant 0 : i32
    %c0_i32_0 = arith.constant 0 : i32
    return %arg0, %c0_i32 : i32, i32
  }
  func.func @transform_1(%arg0: i32) -> (i32, i32) {
    %c0_i32 = arith.constant 0 : i32
    %c0_i32_0 = arith.constant 0 : i32
    return %arg0, %c0_i32 : i32, i32
  }
  func.func @transform_2(%arg0: i32) -> (i32, i32) {
    %c0_i32 = arith.constant 0 : i32
    %c0_i32_0 = arith.constant 0 : i32
    return %c0_i32, %arg0 : i32, i32
  }
  func.func @transform_3(%arg0: i32) -> (i32, i32) {
    %c0_i32 = arith.constant 0 : i32
    %c0_i32_0 = arith.constant 0 : i32
    return %arg0, %c0_i32 : i32, i32
  }
  func.func @transform_4(%arg0: i32) -> (i32, i32) {
    %c0_i32 = arith.constant 0 : i32
    %c0_i32_0 = arith.constant 0 : i32
    return %arg0, %c0_i32 : i32, i32
  }
  func.func @transform_5(%arg0: i32) -> (i32, i32) {
    %c0_i32 = arith.constant 0 : i32
    %c0_i32_0 = arith.constant 0 : i32
    %c0_i32_1 = arith.constant 0 : i32
    return %c0_i32, %c0_i32_0 : i32, i32
  }
  func.func @transform_6(%arg0: i32) -> (i32, i32) {
    %c0_i32 = arith.constant 0 : i32
    %c0_i32_0 = arith.constant 0 : i32
    %c0_i32_1 = arith.constant 0 : i32
    return %c0_i32, %c0_i32_0 : i32, i32
  }
  func.func @transform_7(%arg0: i32) -> (i32, i32) {
    %c0_i32 = arith.constant 0 : i32
    %c0_i32_0 = arith.constant 0 : i32
    %c0_i32_1 = arith.constant 0 : i32
    return %c0_i32, %c0_i32_0 : i32, i32
  }
  func.func @transform_8(%arg0: i32) -> (i32, i32) {
    %c0_i32 = arith.constant 0 : i32
    %c0_i32_0 = arith.constant 0 : i32
    return %arg0, %c0_i32 : i32, i32
  }
}

</mosaic_0001>

<sc_bundles>
// kernel: kernel.5.cloned.1.call-start
scs
__scs_entry_jumppad:
0x0: {  	(pc) =	sbr.rel $0x88, $3  }
0x1: {  	(tag) =	ssettag $0x0;
	lr =	simm.s32 $0x1  }
0x2: {  	[smem:$0x3F9A] =	sst lr;
	_ =	strace $0xD0000000  }
0x3: {  	_ = 	snop  }
0x4: {  	_ = 	snop  }
0x5: {  	_ = 	snop  }
0x6: {  	_ = 	snop  }
0x7: {  	_ = 	snop  }
__scs_overlays_trampoline_lowered:
0x8: {  	[smem:$0x3FA9] =	sst s0  }
0x9: {  	[smem:$0x3FAA] =	sst s1  }
0xa: {  	[smem:$0x3FAB] =	sst s2  }
0xb: {  	[smem:$0x3FAC] =	sst s3  }
0xc: {  	[smem:$0x3FAD] =	sst s4  }
0xd: {  	[smem:$0x3FAE] =	sst s5  }
0xe: {  	[smem:$0x3FAF] =	sst s6  }
0xf: {  	[smem:$0x3FB0] =	sst s7  }
0x10: {  	[smem:$0x3FB1] =	sst s8  }
0x11: {  	[smem:$0x3FB2] =	sst s9;
	s0 =	simm.s32 @!p0 $0x0  }
0x12: {  	s1 =	sld [smem:$0x3F98];
	s0 =	simm.s32 @p0 $0x1  }
0x13: {  	[smem:$0x3FB3] =	sst s0;
	s0 =	simm.s32 @!p1 $0x0  }
0x14: {  	s2 =	sld [smem:$0x3F97];
	s0 =	simm.s32 @p1 $0x1  }
0x15: {  	[smem:$0x3FB4] =	sst s0;
	s0 =	simm.s32 @!p2 $0x0  }
0x16: {  	s3 =	sld [smem:$0x3FDB];
	s0 =	simm.s32 @p2 $0x1  }
0x17: {  	s4 =	simm.s32 $0x1BF5;
	[smem:$0x3FB6] =	sst s0  }
0x18: {  	s0 =	sld [smem:$0x3F99];
	_ =	swait.ge [sflag:s4], $0x0  }
0x19: {  	s7 =	sld [smem:$0x3F9A]  }
0x1a: {  	s8 =	sadd.s32 $0xFFFFE003, lr  }
0x1b: {  	s9 =	sadd.s32 $0xFFFFFEF7, lr;
	s5 =	simm.s32 $0xFFFFFFFF;
	p2 =	slt.u32 s8, $0xFFFFF086  }
0x1c: {  	p1 =	slt.u32 s9, $0xF7A;
	s5 =	simm.s32 @!p2 $0x0  }
0x1d: {  	s5 =	simm.s32 @p1 $0x1;
	p0 =	seq.s32 s7, s2  }
0x1e: {  	s7 =	smul.u32 @!p0 $0xF7A, s2;
	p2 =	seq.s32 @!p0 s5, $0x0  }
0x1f: {  	s9 =	smul.u32 $0xF7A, s1;
	s8 =	simm.s32 @!p0 $0x1BF5;
	p2 =	por !p2, p0  }
0x20: {  	[sflag:s8] =	ssyncset.s32 @!p0 $0xFFFFF086;
	s6 =	sadd.s32 @!p0 s3, s7;
	s7 =	simm.s32 @!p0 $0x108  }
0x21: {  	s3 =	sadd.s32 s3, s9;
	s6 =	sadd.s32 @!p0 $0x88, s6;
	s7 =	simm.s32 @p2 $0x1082  }
0x22: {  	[simem:s7], [sflag:s8] =	dma.local @!p0 [hbm:s6], $0xF7A  }
0x23: {  	s9 =	sor.u32 $0xD0000000, s2;
	s6 =	simm.s32 $0x108;
	_ =	swait.ge @!p0 [sflag:s8], $0x0  }
0x24: {  	s3 =	sadd.s32 $0x88, s3;
	s6 =	simm.s32 @!p1 $0x1082;
	[sflag:s4] =	ssyncset.s32 $0xFFFFF086  }
0x25: {  	[simem:s6], [sflag:s4] =	dma.local [hbm:s3], $0xF7A  }
0x26: {  	[smem:$0x3F9A] =	sst s1;
	(tag) =	ssettag s2;
	_ =	strace s9  }
0x27: {  	s1 =	sld [smem:$0x3FAA]  }
0x28: {  	s2 =	sld [smem:$0x3FAB]  }
0x29: {  	s4 =	sld [smem:$0x3FAD]  }
0x2a: {  	p0 =	seq.s32 s5, $0x0;
	s5 =	sld [smem:$0x3FAE]  }
0x2b: {  	s6 =	sld [smem:$0x3FAF]  }
0x2c: {  	s7 =	sld [smem:$0x3FB0]  }
0x2d: {  	s3 =	simm.s32 $0x108;
	s8 =	sld [smem:$0x3FB1]  }
0x2e: {  	s3 =	simm.s32 @!p0 $0x1082;
	s9 =	sld [smem:$0x3FB2]  }
0x2f: {  	lr =	sadd.s32 s0, s3;
	s0 =	sld [smem:$0x3FA9]  }
0x30: {  	s3 =	sld [smem:$0x3FAC]  }
0x31: {  	[smem:$0x3FB5] =	sst s10  }
0x32: {  	s10 =	sld [smem:$0x3FB3];
	_ =	sdelay $0x3  }
0x33: {  	p0 =	seq.s32 s10, $0x1;
	s10 =	sld [smem:$0x3FB5];
	_ =	sdelay $0x3  }
0x34: {  	[smem:$0x3FB5] =	sst s10  }
0x35: {  	s10 =	sld [smem:$0x3FB4];
	_ =	sdelay $0x3  }
0x36: {  	p1 =	seq.s32 s10, $0x1;
	s10 =	sld [smem:$0x3FB5];
	_ =	sdelay $0x3  }
0x37: {  	[smem:$0x3FB5] =	sst s10  }
0x38: {  	s10 =	sld [smem:$0x3FB6]  }
0x39: {  	_ = 	snop;
	(pc) =	sbr.ind lr, $3  }
0x3a: {  	_ = 	snop  }
0x3b: {  	_ = 	snop  }
0x3c: {  	p2 =	seq.s32 s10, $0x1;
	s10 =	sld [smem:$0x3FB5]  }
0x3d: {  	_ =	shalt  }
0x3e: {  	_ =	shalt  }
0x3f: {  	_ =	shalt  }
0x40: {  	_ =	shalt  }
0x41: {  	_ =	shalt  }
0x42: {  	_ =	shalt  }
0x43: {  	_ =	shalt  }
0x44: {  	_ =	shalt  }
0x45: {  	_ =	shalt  }
0x46: {  	_ =	shalt  }
0x47: {  	_ =	shalt  }
0x48: {  	_ =	shalt  }
0x49: {  	_ =	shalt  }
0x4a: {  	_ =	shalt  }
0x4b: {  	_ =	shalt  }
0x4c: {  	_ =	shalt  }
0x4d: {  	_ =	shalt  }
0x4e: {  	_ =	shalt  }
0x4f: {  	_ =	shalt  }
0x50: {  	_ =	shalt  }
0x51: {  	_ =	shalt  }
0x52: {  	_ =	shalt  }
0x53: {  	_ =	shalt  }
0x54: {  	_ =	shalt  }
0x55: {  	_ =	shalt  }
0x56: {  	_ =	shalt  }
0x57: {  	_ =	shalt  }
0x58: {  	_ =	shalt  }
0x59: {  	_ =	shalt  }
0x5a: {  	_ =	shalt  }
0x5b: {  	_ =	shalt  }
0x5c: {  	_ =	shalt  }
0x5d: {  	_ =	shalt  }
0x5e: {  	_ =	shalt  }
0x5f: {  	_ =	shalt  }
0x60: {  	_ =	shalt  }
0x61: {  	_ =	shalt  }
0x62: {  	_ =	shalt  }
0x63: {  	_ =	shalt  }
0x64: {  	_ =	shalt  }
0x65: {  	_ =	shalt  }
0x66: {  	_ =	shalt  }
0x67: {  	_ =	shalt  }
0x68: {  	_ =	shalt  }
0x69: {  	_ =	shalt  }
0x6a: {  	_ =	shalt  }
0x6b: {  	_ =	shalt  }
0x6c: {  	_ =	shalt  }
0x6d: {  	_ =	shalt  }
0x6e: {  	_ =	shalt  }
0x6f: {  	_ =	shalt  }
0x70: {  	_ =	shalt  }
0x71: {  	_ =	shalt  }
0x72: {  	_ =	shalt  }
0x73: {  	_ =	shalt  }
0x74: {  	_ =	shalt  }
0x75: {  	_ =	shalt  }
0x76: {  	_ =	shalt  }
0x77: {  	_ =	shalt  }
0x78: {  	_ =	shalt  }
0x79: {  	_ =	shalt  }
0x7a: {  	_ =	shalt  }
0x7b: {  	_ =	shalt  }
0x7c: {  	_ =	shalt  }
0x7d: {  	_ =	shalt  }
0x7e: {  	_ =	shalt  }
0x7f: {  	_ =	shalt  }
0x80: {  	_ =	shalt  }
0x81: {  	_ =	shalt  }
0x82: {  	_ =	shalt  }
0x83: {  	_ =	shalt  }
0x84: {  	_ =	shalt  }
0x85: {  	_ =	shalt  }
0x86: {  	_ =	shalt  }
0x87: {  	_ =	shalt  }
.Lfunc_end0:
.L_simem_size_0:
called_computation_lowered:
.L_overlay_start_0:
0x88: {  	s2 =	sld [smem:$0x3FD9]  }
0x89: {  	s3 =	sld [smem:$0x3FFE];
	_ =	sdelay $0x1  }
0x8a: {  	s1 =	srdreg.scid  }
0x8b: {  	s0 =	sand.u32 $0x1, s1  }
0x8c: {  	s17 =	sshll.u32 s0, $0xA;
	s2 =	sadd.s32 s3, s2  }
0x8d: {  	s2 =	sadd.s32 s2, s17  }
0x8e: {  	[smem:$0x3FC1] =	sst s2  }
0x8f: {  	_ = 	snop  }
0x90: {  	s2 =	sld [smem:$0x3FD0];
	(tm) =	ssettm $0x1  }
0x91: {  	s18 =	sld [smem:$0x3FFB];
	_ =	sdelay $0x3  }
0x92: {  	_ =	strace s18  }
0x93: {  	s3 =	sld [smem:$0x3FFC];
	_ =	sdelay $0x3  }
0x94: {  	_ =	strace s3  }
0x95: {  	s3 =	sld [smem:$0x3FFD];
	_ =	sdelay $0x3  }
0x96: {  	_ =	strace s3  }
0x97: {  	_ =	strace $0x8FFFFFFF  }
0x98: {  	s19 =	sld [smem:$0x3FDB];
	_ =	sdelay $0x1  }
0x99: {  	s4 =	simm.s32 $_scs_section_size  }
0x9a: {  	s5 =	simm.s32 $_size__tile_overlayer_lowered;
	s6 =	simm.s32 $_tile_overlayer_lowered  }
0x9b: {  	s22 =	simm.s32 $0x1BFF;
	s21 =	sshll.u32 s6, $0x1;
	s3 =	sadd.s32 s4, s19  }
0x9c: {  	s7 =	simm.s32 $0x0;
	s20 =	sshll.u32 s5, $0x1;
	s5 =	sadd.s32 s21, s3  }
0x9d: {  	[timem:s7], [sflag:s22] =	dma.local [hbm:s5], s20  }
0x9e: {  	_ =	swait.ge [sflag:s22], s20  }
0x9f: {  	s4 =	ssub.s32 $0x0, s20;
	[sflag:s22] =	ssyncset.done $0x0  }
0xa0: {  	[sflag:s22] =	ssyncadd.s32 s4;
	_ =	sdelay $0x1  }
0xa1: {  	s23 =	simm.s32 $0x1B8B  }
0xa2: {  	_ =	swait.ge [sflag:s23], $0x1  }
0xa3: {  	[sflag:s23] =	ssyncset.done $0x0  }
0xa4: {  	s25 =	simm.s32 $0x1B8E;
	s24 =	sld [smem:$0x3FFE];
	[sflag:s23] =	ssyncadd.s32 $0xFFFFFFFF  }
0xa5: {  	s26 =	simm.s32 $execute0_lowered;
	[smem:$0x3FD2] =	sst s25  }
0xa6: {  	s5 =	sshll.u32 s26, $0x1;
	_ =	strace $0x80000046;
	[dreg:$0x1] =	wrdreg $0xFFFFFFFF  }
0xa7: {  	s28 =	simm.s32 $_size_execute0_lowered;
	s3 =	sadd.s32 s3, s5;
	[dreg:$0x0] =	wrdreg $0x0  }
0xa8: {  	s5 =	sshll.u32 s28, $0x1;
	[dreg:$0x2] =	wrdreg s3  }
0xa9: {  	[dreg:$0x3] =	wrdreg s5  }
0xaa: {  	[dreg:$0x4] =	wrdreg $0xC0  }
0xab: {  	_ =	task [dreg:s7], $0x5FFFF  }
0xac: {  	[dreg:$0x1] =	wrdreg $0xFFFFFFFF  }
0xad: {  	[dreg:$0x0] =	wrdreg $0x60  }
0xae: {  	[dreg:$0x2] =	wrdreg s2  }
0xaf: {  	[dreg:$0x3] =	wrdreg s24  }
0xb0: {  	[dreg:$0x4] =	wrdreg $0x0  }
0xb1: {  	[dreg:$0x5] =	wrdreg $0x9  }
0xb2: {  	_ =	task.clear_ibuf [dreg:s7], $0x6FFFF;
	_ =	strace $0x90000046  }
0xb3: {  	s29 =	simm.s32 $0x9;
	_ =	strace $0x80000048  }
0xb4: {  	_ =	swait.ge [sflag:s29], $0x1  }
0xb5: {  	[sflag:s29] =	ssyncadd.s32 $0xFFFFFFFF  }
0xb6: {  	_ =	strace $0x90000048  }
0xb7: {  	_ =	sfence  }
0xb8: {  	s30 =	sld [smem:$0x0];
	_ =	sdelay $0x2  }
0xb9: {  	s31 =	sshll.u32 s1, $0xD;
	s1 =	sshrl.u32 s1, $0x2  }
0xba: {  	s3 =	sand.u32 $0x4000, s31;
	s1 =	sadd.s32 s1, s30  }
0xbb: {  	s0 =	sor.u32 s3, s0;
	s1 =	sshll.u32 s1, $0x11  }
0xbc: {  	s0 =	sor.u32 s1, s0  }
0xbd: {  	s0 =	sadd.s32 $0x8F2B, s0  }
0xbe: {  	[sflag:s0] =	ssyncadd.remote.s32 $0x1  }
0xbf: {  	_ =	sfence.sel $0xFFFF  }
0xc0: {  	[dreg:$0x0] =	wrdreg $0xFFFFFFFF;
	(pc) =	sbr.abs _section_cstart, $3  }
0xc1: {  	[dreg:$0x1] =	wrdreg $0xFFFFFFFF  }
0xc2: {  	_ =	task.clear_ibuf [dreg:s7], $0x2FFFF;
	_ =	strace $0x9FFFFFFF  }
0xc3: {  	(tm) =	ssettm $0x7FFFFFFF  }
tec
execute0_lowered:
.L_overlay_start_1:
0x0: {  	(tag) =	ssettag $0x1  }
0x1: {  	s1 =	rddreg [dreg:$0x0]  }
0x2: {  	s0 =	rddreg [dreg:$0x1]  }
0x3: {  	s2 =	rddreg [dreg:$0x2];
	s3 =	srdreg.scid;
	s4 =	simm.s32 $0x0  }
0x4: {  	s13 =	stileid.u32;
	s30 =	simm.s32 $0x1BC00;
	s31 =	simm.s32 $0x1BD00  }
0x5: {  	s29 =	simm.s32 $0x13C00;
	s3 =	sand.u32 $0x1, s3;
	[smem:$0x7FF] =	sst s4  }
0x6: {  	s6 =	sadd.s32 $0x1200, s0;
	s7 =	sadd.s32 $0xB200, s0;
	s8 =	smul.u32 $0x2800, s13  }
0x7: {  	s9 =	sadd.s32 $0x10200, s0;
	s23 =	sadd.s32 $0x10A00, s0;
	s16 =	smul.u32 $0x4F000, s13  }
0x8: {  	s14 =	sadd.s32 $0x1B000, s0;
	s15 =	sadd.s32 $0x42200, s0;
	s19 =	smul.u32 $0x4E000, s13  }
0x9: {  	s22 =	smul.u32 $0x500, s13;
	p3 =	sne.s32 s13, $0xF;
	p4 =	seq.s32 s13, $0xF  }
0xa: {  	s5 =	sshll.u32 s3, $0x4;
	_ =	strace $0x80000047;
	[dreg:$0x4] =	wrdreg s9  }
0xb: {  	[dreg:$0x5] =	wrdreg s23;
	s24 =	smul.u32 $0x28000, s3;
	s10 =	ssub.s32 $0x2, s3  }
0xc: {  	p0 =	seq.s32 s3, $0x1;
	p1 =	sne.s32 s3, $0x0;
	[dreg:$0x6] =	wrdreg s14  }
0xd: {  	p2 =	seq.s32 s3, $0x0;
	[dreg:$0x7] =	wrdreg s15;
	s5 =	sor.u32 s13, s5  }
0xe: {  	s25 =	sshrl.u32 s10, $0x1;
	s12 =	sor.u32 $0x80, s8;
	s18 =	sshrl.u32 s16, $0x2  }
0xf: {  	s20 =	sshrl.u32 s19, $0x2;
	s5 =	smul.u32 $0x500, s5;
	s11 =	sadd.s32 s8, s24  }
0x10: {  	s8 =	sshrl.u32 s8, $0x3;
	s9 =	sadd.s32 s24, s12;
	s17 =	sshrl.u32 s12, $0x3  }
0x11: {  	s16 =	sadd.s32 s18, s2;
	s26 =	sshrl.u32 s11, $0x3;
	s8 =	sadd.s32 s7, s8  }
0x12: {  	s24 =	sor.u32 $0x180, s11;
	s28 =	sadd.s32 $0x10000, s16;
	s0 =	sadd.s32 s5, s0  }
0x13: {  	s5 =	ssub.s32 s10, s25;
	s10 =	sadd.s32 s6, s26;
	[dreg:$0x9] =	wrdreg s8  }
0x14: {  	[dreg:$0x8] =	wrdreg s10;
	s10 =	sshrl.u32 s9, $0x3;
	s0 =	sadd.s32 $0x11000, s0  }
0x15: {  	s25 =	sor.u32 $0x100, s11;
	s8 =	sadd.s32 s6, s10;
	[dreg:$0xc] =	wrdreg s0  }
0x16: {  	s10 =	smul.u32 $0x270, s13;
	[dreg:$0xa] =	wrdreg s8;
	s8 =	sadd.s32 s7, s17  }
0x17: {  	s17 =	sadd.s32 s22, s7;
	s7 =	sshrl.u32 s24, $0x3;
	s22 =	smul.u32 $0x2700, s13  }
0x18: {  	[dreg:$0xb] =	wrdreg s8;
	s0 =	sadd.s32 $0x80, s10;
	s8 =	sadd.s32 s20, s2  }
0x19: {  	s26 =	sadd.s32 $0x100, s10;
	s18 =	sadd.s32 s7, s6;
	s20 =	sadd.s32 $0x180, s10  }
0x1a: {  	s21 =	sshll.u32 s0, $0x7;
	[dreg:$0xd] =	wrdreg s8;
	s8 =	sshrl.u32 s25, $0x3  }
0x1b: {  	s11 =	sshll.u32 s26, $0x7;
	s0 =	sshll.u32 s0, $0x4;
	s25 =	sadd.s32 s14, s22  }
0x1c: {  	s12 =	sshll.u32 s26, $0x4;
	s23 =	sadd.s32 s21, s2;
	[dreg:$0x12] =	wrdreg s25  }
0x1d: {  	s19 =	sadd.s32 s8, s6;
	s6 =	sadd.s32 s11, s2;
	[dreg:$0xe] =	wrdreg s23  }
0x1e: {  	s3 =	sshll.u32 s20, $0x4;
	s8 =	sadd.s32 s15, s22;
	[dreg:$0xf] =	wrdreg s6  }
0x1f: {  	s21 =	sadd.s32 $0x200, s10;
	s26 =	sadd.s32 s14, s0;
	[dreg:$0x13] =	wrdreg s8  }
0x20: {  	s0 =	sadd.s32 s15, s0;
	s10 =	sadd.s32 s15, s12;
	[dreg:$0x14] =	wrdreg s26  }
0x21: {  	s11 =	sadd.s32 s14, s3;
	s22 =	sadd.s32 $0x4000, s16;
	[dreg:$0x15] =	wrdreg s0  }
0x22: {  	s25 =	sadd.s32 $0x8000, s16;
	s23 =	sshll.u32 s20, $0x7;
	[dreg:$0x17] =	wrdreg s10  }
0x23: {  	s24 =	sshll.u32 s21, $0x7;
	s7 =	sshll.u32 s21, $0x4;
	[dreg:$0x18] =	wrdreg s11  }
0x24: {  	s21 =	smax.u32 s5, $0x1;
	[dreg:$0x1d] =	wrdreg s22;
	s26 =	sadd.s32 $0xC000, s16  }
0x25: {  	s0 =	simm.s32 $0x1BC80;
	s8 =	simm.s32 $0x1;
	s5 =	simm.s32 $0x80  }
0x26: {  	s6 =	simm.s32 $0x2;
	s9 =	sadd.s32 s23, s2;
	[dreg:$0x1c] =	wrdreg s21  }
0x27: {  	s10 =	simm.s32 $0x1BE00;
	s20 =	sadd.s32 s15, s7;
	[dreg:$0x10] =	wrdreg s9  }
0x28: {  	s11 =	simm.s32 $0x5;
	s23 =	sadd.s32 $0x138000, s2;
	[dreg:$0x1b] =	wrdreg s20  }
0x29: {  	s9 =	sadd.s32 s24, s2;
	s24 =	smov.u32 s16;
	[dreg:$0x1e] =	wrdreg s23  }
.Ltmp0:
0x2a: {  	[dreg:$0x11] =	wrdreg s9;
	s9 =	sadd.s32 s14, s12;
	(pc) =	sbr.rel .LBB2_1-.Ltmp0, $4  }
0x2b: {  	s16 =	simm.s32 $0x0;
	s12 =	sadd.s32 s15, s3;
	[dreg:$0x16] =	wrdreg s9  }
0x2c: {  	s14 =	sadd.s32 s14, s7;
	s3 =	simm.s32 $0x1BD80;
	[dreg:$0x19] =	wrdreg s12  }
0x2d: {  	s7 =	simm.s32 $0x7;
	s15 =	simm.s32 $0x4;
	[dreg:$0x1a] =	wrdreg s14  }
0x2e: {  	s9 =	simm.s32 $0x17C00;
	s12 =	simm.s32 $0x3;
	s14 =	simm.s32 $0x6  }
.LBB2_7:
0x2f: {  	s13 =	rddreg [dreg:$0x1e]  }
0x30: {  	[tilespmem:s29], [sflag:$0x7] =	stream.linear.gather [spmem:s13], $0x800, $0x38;
	[tilespmem:$0x1E600] =	vst v63  }
0x31: {  	_ =	swait.ge [sflag:s7], $0x800  }
0x32: {  	[sflag:s7] =	ssyncset.done $0x0  }
0x33: {  	s23 =	sadd.s32 $0x27000, s20;
	[sflag:s7] =	ssyncadd.s32 $0xFFFFF800  }
0x34: {  	[hbm4b:s23+s4] =	stream.linear.scatter [tilespmem:s29], [sflag:$0x5], $0x800, $0x38;
	[tilespmem:$0x1E600] =	vst v63  }
0x35: {  	_ =	swait.ge [sflag:s11], $0x800  }
0x36: {  	[sflag:s11] =	ssyncset.done $0x0  }
0x37: {  	[sflag:s11] =	ssyncadd.s32 $0xFFFFF800  }
.LBB2_8:
0x38: {  	s16 =	sadd.s32 $0x1, s16;
	s13 =	rddreg [dreg:$0x1c]  }
0x39: {  	p5 =	sne.s32 s16, s13  }
.Ltmp1:
0x3a: {  	_ = 	snop;
	(pc) =	sbr.rel @!p5 .LBB2_9-.Ltmp1, $1  }
0x3b: {  	_ =	sdelay $0x3  }
.LBB2_1:
0x3c: {  	s13 =	rddreg [dreg:$0x8]  }
0x3d: {  	[tilespmem:s30], [sflag:$0x1] =	stream.linear.gather [hbm4b:s13+s4], $0x80, $0x38;
	[tilespmem:$0x1E600] =	vst v63  }
0x3e: {  	s22 =	rddreg [dreg:$0x9]  }
0x3f: {  	[tilespmem:s31], [sflag:$0x3] =	stream.linear.gather [hbm4b:s22+s4], $0x80, $0x38;
	[tilespmem:$0x1E600] =	vst v63  }
0x40: {  	s23 =	rddreg [dreg:$0xa]  }
0x41: {  	[tilespmem:s0], [sflag:$0x2] =	stream.linear.gather [hbm4b:s23+s4], $0x80, $0x38;
	[tilespmem:$0x1E600] =	vst v63  }
0x42: {  	s20 =	rddreg [dreg:$0xb]  }
0x43: {  	[tilespmem:s3], [sflag:$0x4] =	stream.linear.gather [hbm4b:s20+s4], $0x80, $0x38;
	[tilespmem:$0x1E600] =	vst v63  }
0x44: {  	s21 =	rddreg [dreg:$0x4]  }
0x45: {  	[tilespmem:s29], [sflag:$0x7] =	stream.linear.gather [hbm4b:s21+s4], $0x4000, $0x38;
	[tilespmem:$0x1E600] =	vst v63  }
0x46: {  	_ =	swait.ge [sflag:s7], $0x4000  }
0x47: {  	[sflag:s7] =	ssyncset.done $0x0  }
0x48: {  	[sflag:s7] =	ssyncadd.s32 $0xFFFFC000  }
0x49: {  	[spmem:s24] =	stream.linear.scatter [tilespmem:s29], [sflag:$0x7], $0x4000, $0x38;
	[tilespmem:$0x1E600] =	vst v63  }
0x4a: {  	_ =	swait.ge [sflag:s7], $0x4000  }
0x4b: {  	[sflag:s7] =	ssyncset.done $0x0  }
0x4c: {  	s22 =	rddreg [dreg:$0x1d];
	[sflag:s7] =	ssyncadd.s32 $0xFFFFC000  }
0x4d: {  	[spmem:s22] =	stream.linear.scatter [tilespmem:s29], [sflag:$0x7], $0x4000, $0x38;
	[tilespmem:$0x1E600] =	vst v63  }
0x4e: {  	_ =	swait.ge [sflag:s7], $0x4000  }
0x4f: {  	[sflag:s7] =	ssyncset.done $0x0  }
0x50: {  	[sflag:s7] =	ssyncadd.s32 $0xFFFFC000  }
0x51: {  	[spmem:s25] =	stream.linear.scatter [tilespmem:s29], [sflag:$0x7], $0x4000, $0x38;
	[tilespmem:$0x1E600] =	vst v63  }
0x52: {  	_ =	swait.ge [sflag:s7], $0x4000  }
0x53: {  	[sflag:s7] =	ssyncset.done $0x0  }
0x54: {  	[sflag:s7] =	ssyncadd.s32 $0xFFFFC000  }
0x55: {  	[spmem:s26] =	stream.linear.scatter [tilespmem:s29], [sflag:$0x7], $0x4000, $0x38;
	[tilespmem:$0x1E600] =	vst v63  }
0x56: {  	_ =	swait.ge [sflag:s7], $0x4000  }
0x57: {  	[sflag:s7] =	ssyncset.done $0x0  }
0x58: {  	[sflag:s7] =	ssyncadd.s32 $0xFFFFC000  }
0x59: {  	[spmem:s28] =	stream.linear.scatter [tilespmem:s29], [sflag:$0x7], $0x3C00, $0x38;
	[tilespmem:$0x1E600] =	vst v63  }
0x5a: {  	_ =	swait.ge [sflag:s7], $0x3C00  }
0x5b: {  	[sflag:s7] =	ssyncset.done $0x0  }
0x5c: {  	[sflag:s7] =	ssyncadd.s32 $0xFFFFC400  }
0x5d: {  	_ =	swait.ge [sflag:s8], $0x80  }
0x5e: {  	[sflag:s8] =	ssyncset.done $0x0  }
0x5f: {  	[sflag:s8] =	ssyncadd.s32 $0xFFFFFF80  }
0x60: {  	[tilespmem:s29], [sflag:$0x5] =	stream.indirect.gather [hbm4b:s1+s5], $0x80, s30, s5, $0xb8;
	[tilespmem:$0x1E600] =	vst v63  }
0x61: {  	_ =	swait.ge [sflag:s6], $0x80  }
0x62: {  	[sflag:s6] =	ssyncset.done $0x0  }
0x63: {  	[sflag:s6] =	ssyncadd.s32 $0xFFFFFF80  }
0x64: {  	[tilespmem:s9], [sflag:$0x6] =	stream.indirect.gather [hbm4b:s1+s5], $0x80, s0, s5, $0xb8;
	[tilespmem:$0x1E600] =	vst v63  }
0x65: {  	s23 =	rddreg [dreg:$0x5]  }
0x66: {  	[tilespmem:s10], [sflag:$0x7] =	stream.linear.gather [hbm4b:s23+s4], $0x2800, $0x38;
	[tilespmem:$0x1E600] =	vst v63  }
0x67: {  	_ =	swait.ge [sflag:s7], $0x2800  }
0x68: {  	[sflag:s7] =	ssyncset.done $0x0  }
0x69: {  	[sflag:s7] =	ssyncadd.s32 $0xFFFFD800  }
0x6a: {  	s20 =	simm.s32 $0x0;
	[bflag:$0x0] =	sbarrier.arrive $0xFFFF  }
.LBB2_2:
0x6b: {  	_ =	swait.ge [sflag:s11], $0x4000  }
0x6c: {  	[sflag:s11] =	ssyncset.done $0x0  }
0x6d: {  	[sflag:s11] =	ssyncadd.s32 $0xFFFFC000  }
0x6e: {  	_ =	swait.ge [sflag:s12], $0x80  }
0x6f: {  	[sflag:s12] =	ssyncset.done $0x0  }
0x70: {  	[sflag:s12] =	ssyncadd.s32 $0xFFFFFF80  }
0x71: {  	v0 =	vld @!p1 [tilespmem:$0x1BD00]  }
0x72: {  	v1 =	vld @!p1 [tilespmem:$0x1BD10]  }
0x73: {  	v2 =	vld @!p1 [tilespmem:$0x1BD20]  }
0x74: {  	v3 =	vld @!p1 [tilespmem:$0x1BD30]  }
0x75: {  	v4 =	vld @!p1 [tilespmem:$0x1BD40]  }
0x76: {  	v5 =	vld @!p1 [tilespmem:$0x1BD50]  }
0x77: {  	v6 =	vld @!p1 [tilespmem:$0x1BD60]  }
0x78: {  	v8 =	vimm.f32 @!p1 $1.000000000e+00;
	s21 =	simm.s32 @!p1 $0x1BE00;
	v7 =	vld @!p1 [tilespmem:$0x1BD70]  }
0x79: {  	[tilespmem:v0+s21+$0x0] =	vst.idx.add.f32.msk @!p1 $0xffff, v8  }
0x7a: {  	[tilespmem:v1+s21+$0x0] =	vst.idx.add.f32.msk @!p1 $0xffff, v8  }
0x7b: {  	[tilespmem:v2+s21+$0x0] =	vst.idx.add.f32.msk @!p1 $0xffff, v8  }
0x7c: {  	[tilespmem:v3+s21+$0x0] =	vst.idx.add.f32.msk @!p1 $0xffff, v8  }
0x7d: {  	[tilespmem:v4+s21+$0x0] =	vst.idx.add.f32.msk @!p1 $0xffff, v8  }
0x7e: {  	[tilespmem:v5+s21+$0x0] =	vst.idx.add.f32.msk @!p1 $0xffff, v8  }
0x7f: {  	[tilespmem:v6+s21+$0x0] =	vst.idx.add.f32.msk @!p1 $0xffff, v8  }
0x80: {  	[tilespmem:v7+s21+$0x0] =	vst.idx.add.f32.msk @!p1 $0xffff, v8  }
0x81: {  	[spmem:s2] =	stream.indirect.scatter.add.f32 [tilespmem:s29], [sflag:$0x7], $0x80, s31, s5, $0xb8;
	[tilespmem:$0x1E600] =	vst v63  }
0x82: {  	p5 =	seq.s32 s20, $0x4E0;
	_ =	swait.ge [sflag:s7], $0x4000  }
0x83: {  	s22 =	simm.s32 @!p5 $0x0;
	[sflag:s7] =	ssyncset.done $0x0  }
0x84: {  	s13 =	simm.s32 @!p5 $0x1BC00;
	s21 =	sadd.s32 @!p5 s20, s19;
	[sflag:s7] =	ssyncadd.s32 $0xFFFFC000  }
0x85: {  	[tilespmem:s13], [sflag:$0x1] =	stream.linear.gather @!p5 [hbm4b:s21+s22], $0x80, $0x38;
	[tilespmem:$0x1E600] =	vst v63  }
0x86: {  	s21 =	sadd.s32 @!p5 s20, s17  }
0x87: {  	s23 =	simm.s32 @!p5 $0x1BD00;
	s21 =	sadd.s32 @!p5 $0x20, s21  }
0x88: {  	[tilespmem:s23], [sflag:$0x3] =	stream.linear.gather @!p5 [hbm4b:s21+s22], $0x80, $0x38;
	[tilespmem:$0x1E600] =	vst v63  }
0x89: {  	s21 =	simm.s32 @!p5 $0x1  }
0x8a: {  	_ =	swait.ge @!p5 [sflag:s21], $0x80  }
0x8b: {  	[sflag:s21] =	ssyncset.done @!p5 $0x0  }
0x8c: {  	s22 =	simm.s32 @!p5 $0x13C00;
	[sflag:s21] =	ssyncadd.s32 @!p5 $0xFFFFFF80;
	s21 =	simm.s32 @!p5 $0x80  }
0x8d: {  	[tilespmem:s22], [sflag:$0x5] =	stream.indirect.gather @!p5 [hbm4b:s1+s21], $0x80, s13, s21, $0xb8;
	[tilespmem:$0x1E600] =	vst v63  }
0x8e: {  	_ =	swait.ge [sflag:s14], $0x4000  }
0x8f: {  	[sflag:s14] =	ssyncset.done $0x0  }
0x90: {  	[sflag:s14] =	ssyncadd.s32 $0xFFFFC000  }
0x91: {  	_ =	swait.ge [sflag:s15], $0x80  }
0x92: {  	[sflag:s15] =	ssyncset.done $0x0  }
0x93: {  	[sflag:s15] =	ssyncadd.s32 $0xFFFFFF80  }
0x94: {  	v0 =	vld @!p2 [tilespmem:$0x1BD80]  }
0x95: {  	v1 =	vld @!p2 [tilespmem:$0x1BD90]  }
0x96: {  	v2 =	vld @!p2 [tilespmem:$0x1BDA0]  }
0x97: {  	v3 =	vld @!p2 [tilespmem:$0x1BDB0]  }
0x98: {  	v4 =	vld @!p2 [tilespmem:$0x1BDC0]  }
0x99: {  	v5 =	vld @!p2 [tilespmem:$0x1BDD0]  }
0x9a: {  	v6 =	vld @!p2 [tilespmem:$0x1BDE0]  }
0x9b: {  	v8 =	vimm.f32 @!p2 $1.000000000e+00;
	s13 =	simm.s32 @!p2 $0x1BE00;
	v7 =	vld @!p2 [tilespmem:$0x1BDF0]  }
0x9c: {  	[tilespmem:v0+s13+$0x0] =	vst.idx.add.f32.msk @!p2 $0xffff, v8  }
0x9d: {  	[tilespmem:v1+s13+$0x0] =	vst.idx.add.f32.msk @!p2 $0xffff, v8  }
0x9e: {  	[tilespmem:v2+s13+$0x0] =	vst.idx.add.f32.msk @!p2 $0xffff, v8  }
0x9f: {  	[tilespmem:v3+s13+$0x0] =	vst.idx.add.f32.msk @!p2 $0xffff, v8  }
0xa0: {  	[tilespmem:v4+s13+$0x0] =	vst.idx.add.f32.msk @!p2 $0xffff, v8  }
0xa1: {  	[tilespmem:v5+s13+$0x0] =	vst.idx.add.f32.msk @!p2 $0xffff, v8  }
0xa2: {  	[tilespmem:v6+s13+$0x0] =	vst.idx.add.f32.msk @!p2 $0xffff, v8  }
.Ltmp2:
0xa3: {  	[tilespmem:v7+s13+$0x0] =	vst.idx.add.f32.msk @!p2 $0xffff, v8;
	(pc) =	sbr.rel @p5 .LBB2_4-.Ltmp2, $4  }
0xa4: {  	[spmem:s2] =	stream.indirect.scatter.add.f32 [tilespmem:s9], [sflag:$0x7], $0x80, s3, s5, $0xb8;
	[tilespmem:$0x1E600] =	vst v63  }
0xa5: {  	_ =	swait.ge [sflag:s7], $0x4000  }
0xa6: {  	[sflag:s7] =	ssyncset.done $0x0  }
0xa7: {  	[sflag:s7] =	ssyncadd.s32 $0xFFFFC000  }
0xa8: {  	s13 =	sadd.s32 s20, s18;
	s23 =	sadd.s32 s20, s17  }
0xa9: {  	[tilespmem:s0], [sflag:$0x2] =	stream.linear.gather [hbm4b:s13+s4], $0x80, $0x38;
	[tilespmem:$0x1E600] =	vst v63  }
0xaa: {  	s13 =	sadd.s32 $0x30, s23  }
0xab: {  	[tilespmem:s3], [sflag:$0x4] =	stream.linear.gather [hbm4b:s13+s4], $0x80, $0x38;
	[tilespmem:$0x1E600] =	vst v63  }
.Ltmp3:
0xac: {  	_ = 	snop;
	(pc) =	sbr.rel .LBB2_2-.Ltmp3, $4  }
0xad: {  	_ =	swait.ge [sflag:s6], $0x80  }
0xae: {  	[sflag:s6] =	ssyncset.done $0x0  }
0xaf: {  	s20 =	sadd.s32 $0x20, s20;
	[sflag:s6] =	ssyncadd.s32 $0xFFFFFF80  }
0xb0: {  	[tilespmem:s9], [sflag:$0x6] =	stream.indirect.gather [hbm4b:s1+s5], $0x80, s0, s5, $0xb8;
	[tilespmem:$0x1E600] =	vst v63  }
.LBB2_4:
0xb1: {  	[bflag:$0x0] =	sbarrier.arrive $0xFFFF  }
0xb2: {  	s13 =	rddreg [dreg:$0xc]  }
0xb3: {  	[hbm4b:s13+s4] =	stream.linear.scatter [tilespmem:s10], [sflag:$0x7], $0x2800, $0x38;
	[tilespmem:$0x1E600] =	vst v63  }
0xb4: {  	_ =	swait.ge [sflag:s7], $0x2800  }
0xb5: {  	[sflag:s7] =	ssyncset.done $0x0  }
.Ltmp4:
0xb6: {  	s23 =	rddreg [dreg:$0xd];
	[sflag:s7] =	ssyncadd.s32 $0xFFFFD800;
	(pc) =	sbr.rel @!p0 .LBB2_5-.Ltmp4, $4  }
0xb7: {  	[tilespmem:s29], [sflag:$0x7] =	stream.linear.gather [spmem:s23], $0x4000, $0x38;
	[tilespmem:$0x1E600] =	vst v63  }
0xb8: {  	_ =	swait.ge [sflag:s7], $0x4000  }
0xb9: {  	[sflag:s7] =	ssyncset.done $0x0  }
0xba: {  	[sflag:s7] =	ssyncadd.s32 $0xFFFFC000  }
0xbb: {  	s13 =	rddreg [dreg:$0x13]  }
0xbc: {  	[hbm4b:s13+s4] =	stream.linear.scatter [tilespmem:s29], [sflag:$0x5], $0x4000, $0x38;
	[tilespmem:$0x1E600] =	vst v63  }
0xbd: {  	s20 =	rddreg [dreg:$0xe]  }
0xbe: {  	[tilespmem:s9], [sflag:$0x7] =	stream.linear.gather [spmem:s20], $0x4000, $0x38;
	[tilespmem:$0x1E600] =	vst v63  }
0xbf: {  	_ =	swait.ge [sflag:s7], $0x4000  }
0xc0: {  	[sflag:s7] =	ssyncset.done $0x0  }
0xc1: {  	s21 =	rddreg [dreg:$0x15];
	[sflag:s7] =	ssyncadd.s32 $0xFFFFC000  }
0xc2: {  	[hbm4b:s21+s4] =	stream.linear.scatter [tilespmem:s9], [sflag:$0x6], $0x4000, $0x38;
	[tilespmem:$0x1E600] =	vst v63  }
0xc3: {  	_ =	swait.ge [sflag:s11], $0x4000  }
0xc4: {  	[sflag:s11] =	ssyncset.done $0x0  }
0xc5: {  	s22 =	rddreg [dreg:$0xf];
	[sflag:s11] =	ssyncadd.s32 $0xFFFFC000  }
0xc6: {  	[tilespmem:s29], [sflag:$0x7] =	stream.linear.gather [spmem:s22], $0x4000, $0x38;
	[tilespmem:$0x1E600] =	vst v63  }
0xc7: {  	_ =	swait.ge [sflag:s7], $0x4000  }
0xc8: {  	[sflag:s7] =	ssyncset.done $0x0  }
0xc9: {  	s23 =	rddreg [dreg:$0x17];
	[sflag:s7] =	ssyncadd.s32 $0xFFFFC000  }
0xca: {  	[hbm4b:s23+s4] =	stream.linear.scatter [tilespmem:s29], [sflag:$0x5], $0x4000, $0x38;
	[tilespmem:$0x1E600] =	vst v63  }
0xcb: {  	_ =	swait.ge [sflag:s14], $0x4000  }
0xcc: {  	[sflag:s14] =	ssyncset.done $0x0  }
0xcd: {  	s20 =	rddreg [dreg:$0x10];
	[sflag:s14] =	ssyncadd.s32 $0xFFFFC000  }
0xce: {  	[tilespmem:s9], [sflag:$0x7] =	stream.linear.gather [spmem:s20], $0x4000, $0x38;
	[tilespmem:$0x1E600] =	vst v63  }
0xcf: {  	_ =	swait.ge [sflag:s7], $0x4000  }
0xd0: {  	[sflag:s7] =	ssyncset.done $0x0  }
0xd1: {  	s21 =	rddreg [dreg:$0x19];
	[sflag:s7] =	ssyncadd.s32 $0xFFFFC000  }
0xd2: {  	[hbm4b:s21+s4] =	stream.linear.scatter [tilespmem:s9], [sflag:$0x6], $0x4000, $0x38;
	[tilespmem:$0x1E600] =	vst v63  }
0xd3: {  	_ =	swait.ge [sflag:s11], $0x4000  }
0xd4: {  	[sflag:s11] =	ssyncset.done $0x0  }
0xd5: {  	s22 =	rddreg [dreg:$0x11];
	[sflag:s11] =	ssyncadd.s32 $0xFFFFC000  }
0xd6: {  	[tilespmem:s29], [sflag:$0x7] =	stream.linear.gather [spmem:s22], $0x3800, $0x38;
	[tilespmem:$0x1E600] =	vst v63  }
0xd7: {  	_ =	swait.ge [sflag:s7], $0x3800  }
0xd8: {  	[sflag:s7] =	ssyncset.done $0x0  }
0xd9: {  	s23 =	rddreg [dreg:$0x1b];
	[sflag:s7] =	ssyncadd.s32 $0xFFFFC800  }
0xda: {  	[hbm4b:s23+s4] =	stream.linear.scatter [tilespmem:s29], [sflag:$0x5], $0x3800, $0x38;
	[tilespmem:$0x1E600] =	vst v63  }
0xdb: {  	_ =	swait.ge [sflag:s11], $0x3800  }
.Ltmp5:
0xdc: {  	[sflag:s11] =	ssyncset.done $0x0;
	(pc) =	sbr.rel @p3 .LBB2_8-.Ltmp5, $4  }
.Ltmp6:
0xdd: {  	[sflag:s11] =	ssyncadd.s32 $0xFFFFC800;
	(pc) =	sbr.rel @!p3 .LBB2_7-.Ltmp6, $4  }
0xde: {  	_ =	swait.ge [sflag:s14], $0x4000  }
0xdf: {  	[sflag:s14] =	ssyncset.done $0x0  }
0xe0: {  	s20 =	rddreg [dreg:$0x7];
	[sflag:s14] =	ssyncadd.s32 $0xFFFFC000  }
0xe1: {  	_ = 	snop  }
.LBB2_5:
0xe2: {  	s13 =	rddreg [dreg:$0x12]  }
0xe3: {  	[hbm4b:s13+s4] =	stream.linear.scatter [tilespmem:s29], [sflag:$0x5], $0x4000, $0x38;
	[tilespmem:$0x1E600] =	vst v63  }
0xe4: {  	s20 =	rddreg [dreg:$0xe]  }
0xe5: {  	[tilespmem:s9], [sflag:$0x7] =	stream.linear.gather [spmem:s20], $0x4000, $0x38;
	[tilespmem:$0x1E600] =	vst v63  }
0xe6: {  	_ =	swait.ge [sflag:s7], $0x4000  }
0xe7: {  	[sflag:s7] =	ssyncset.done $0x0  }
0xe8: {  	s21 =	rddreg [dreg:$0x14];
	[sflag:s7] =	ssyncadd.s32 $0xFFFFC000  }
0xe9: {  	[hbm4b:s21+s4] =	stream.linear.scatter [tilespmem:s9], [sflag:$0x6], $0x4000, $0x38;
	[tilespmem:$0x1E600] =	vst v63  }
0xea: {  	_ =	swait.ge [sflag:s11], $0x4000  }
0xeb: {  	[sflag:s11] =	ssyncset.done $0x0  }
0xec: {  	s22 =	rddreg [dreg:$0xf];
	[sflag:s11] =	ssyncadd.s32 $0xFFFFC000  }
0xed: {  	[tilespmem:s29], [sflag:$0x7] =	stream.linear.gather [spmem:s22], $0x4000, $0x38;
	[tilespmem:$0x1E600] =	vst v63  }
0xee: {  	_ =	swait.ge [sflag:s7], $0x4000  }
0xef: {  	[sflag:s7] =	ssyncset.done $0x0  }
0xf0: {  	s23 =	rddreg [dreg:$0x16];
	[sflag:s7] =	ssyncadd.s32 $0xFFFFC000  }
0xf1: {  	[hbm4b:s23+s4] =	stream.linear.scatter [tilespmem:s29], [sflag:$0x5], $0x4000, $0x38;
	[tilespmem:$0x1E600] =	vst v63  }
0xf2: {  	_ =	swait.ge [sflag:s14], $0x4000  }
0xf3: {  	[sflag:s14] =	ssyncset.done $0x0  }
0xf4: {  	s20 =	rddreg [dreg:$0x10];
	[sflag:s14] =	ssyncadd.s32 $0xFFFFC000  }
0xf5: {  	[tilespmem:s9], [sflag:$0x7] =	stream.linear.gather [spmem:s20], $0x4000, $0x38;
	[tilespmem:$0x1E600] =	vst v63  }
0xf6: {  	_ =	swait.ge [sflag:s7], $0x4000  }
0xf7: {  	[sflag:s7] =	ssyncset.done $0x0  }
0xf8: {  	s21 =	rddreg [dreg:$0x18];
	[sflag:s7] =	ssyncadd.s32 $0xFFFFC000  }
0xf9: {  	[hbm4b:s21+s4] =	stream.linear.scatter [tilespmem:s9], [sflag:$0x6], $0x4000, $0x38;
	[tilespmem:$0x1E600] =	vst v63  }
0xfa: {  	_ =	swait.ge [sflag:s11], $0x4000  }
0xfb: {  	[sflag:s11] =	ssyncset.done $0x0  }
0xfc: {  	s22 =	rddreg [dreg:$0x11];
	[sflag:s11] =	ssyncadd.s32 $0xFFFFC000  }
0xfd: {  	[tilespmem:s29], [sflag:$0x7] =	stream.linear.gather [spmem:s22], $0x3800, $0x38;
	[tilespmem:$0x1E600] =	vst v63  }
0xfe: {  	_ =	swait.ge [sflag:s7], $0x3800  }
0xff: {  	[sflag:s7] =	ssyncset.done $0x0  }
0x100: {  	s23 =	rddreg [dreg:$0x1a];
	[sflag:s7] =	ssyncadd.s32 $0xFFFFC800  }
0x101: {  	[hbm4b:s23+s4] =	stream.linear.scatter [tilespmem:s29], [sflag:$0x5], $0x3800, $0x38;
	[tilespmem:$0x1E600] =	vst v63  }
0x102: {  	_ =	swait.ge [sflag:s11], $0x3800  }
.Ltmp7:
0x103: {  	[sflag:s11] =	ssyncset.done $0x0;
	(pc) =	sbr.rel @p4 .LBB2_7-.Ltmp7, $4  }
.Ltmp8:
0x104: {  	[sflag:s11] =	ssyncadd.s32 $0xFFFFC800;
	(pc) =	sbr.rel @!p4 .LBB2_8-.Ltmp8, $4  }
0x105: {  	_ =	swait.ge [sflag:s14], $0x4000  }
0x106: {  	[sflag:s14] =	ssyncset.done $0x0  }
0x107: {  	s20 =	rddreg [dreg:$0x6];
	[sflag:s14] =	ssyncadd.s32 $0xFFFFC000  }
0x108: {  	_ = 	snop  }
.LBB2_9:
0x109: {  	_ =	sfence.sel $0x180000  }
0x10a: {  	[bflag:$0x0] =	sbarrier.arrive $0xFFFF  }
0x10b: {  	_ =	strace $0x90000047  }
0x10c: {  	s0 =	stileid.u32;
	[bflag:$0x2] =	sbarrier.arrive $0xFFFF  }
0x10d: {  	p0 =	sne.s32 s0, $0x0;
	s0 =	rddreg [dreg:$0x3]  }
0x10e: {  	s0 =	sadd.s32 @!p0 $0x100000, s0  }
0x10f: {  	[sflag:s0] =	ssyncadd.tile.s32 @!p0 $0x1;
	_ =	shalt  }
.Lfunc_end2:
_tile_overlayer_lowered:
.L_overlay_start_2:
0x110: {  	(tag) =	ssettag $0x2  }
0x111: {  	s0 =	rddreg [dreg:$0x0];
	s2 =	stileid.u32  }
0x112: {  	s1 =	rddreg [dreg:$0x1];
	p0 =	sne.s32 s2, $0x0  }
0x113: {  	s3 =	rddreg [dreg:$0x2];
	[bflag:$0x3] =	sbarrier.arrive $0xFFFF;
	s2 =	simm.s32 @!p0 $0x1C07  }
0x114: {  	[timem:s3], [sflag:s2] =	dma.local @!p0 [hbm:s0], s1  }
0x115: {  	s0 =	simm.s32 @!p0 $0x7  }
0x116: {  	_ =	swait.ge @!p0 [sflag:s0], s1  }
0x117: {  	s1 =	ssub.s32 @!p0 $0x0, s1;
	[sflag:s0] =	ssyncset.done @!p0 $0x0  }
0x118: {  	[sflag:s0] =	ssyncadd.s32 @!p0 s1  }
0x119: {  	[bflag:$0x3] =	sbarrier.arrive $0xFFFF  }
0x11a: {  	_ =	shalt  }

</sc_bundles>
